<compile_context>
chip_gen: v7x
topology: tpu7x:2x2x1
jax: 0.10.2.dev20260603
libtpu: 0.0.44.dev20260713+nightly
codegen_flags: <defaults>
</compile_context>

<pallas_src>
import dataclasses
import functools

import jax
import jax.numpy as jnp
from jax import lax
from jax.experimental import pallas as pl
from jax.experimental.pallas import tpu as pltpu
from jax.experimental.pallas import tpu_sc as plsc

E = 8
TOP_K = 2
D = 1024
F = 2048
T = 2048
PAIRS = T * TOP_K
BLK = 256
NS = PAIRS + E * BLK - BLK
NS = 6144
NBLK = NS // BLK
TG = 16
NW = 32

@functools.lru_cache(maxsize=None)
def _sc_mesh():
    return plsc.VectorSubcoreMesh(core_axis_name="c", subcore_axis_name="s")


def _router_body(x_ref, gw_ref, logits_ref, w1_ref, w2_ref, dest_ref, bexp_ref):
    x3 = x_ref[...]
    gw = gw_ref[...]
    l8 = lax.dot_general(x3, gw, (((2,), (1,)), ((), ())),
                         preferred_element_type=jnp.float32)
    logits_ref[...] = l8
    m = jnp.max(l8, axis=-1, keepdims=True)
    ex = jnp.exp(l8 - m)
    p = ex / jnp.sum(ex, axis=-1, keepdims=True)
    a1 = jnp.argmax(p, axis=-1)
    e_iota = lax.broadcasted_iota(jnp.int32, (TG, 128, E), 2)
    m1 = jnp.max(p, axis=-1)
    p2m = jnp.where(e_iota == a1[:, :, None], -1.0, p)
    a2 = jnp.argmax(p2m, axis=-1)
    m2 = jnp.max(p2m, axis=-1)
    s = m1 + m2
    w1_ref[...] = jnp.transpose(m1 / s)
    w2_ref[...] = jnp.transpose(m2 / s)

    et = lax.broadcasted_iota(jnp.int32, (TG, E, 128), 1)
    m1t = (et == a1[:, None, :]).astype(jnp.float32)
    m2t = (et == a2[:, None, :]).astype(jnp.float32)
    mt = jnp.concatenate([m1t, m2t], axis=0)

    r_i = lax.broadcasted_iota(jnp.int32, (128, 128), 0)
    c_i = lax.broadcasted_iota(jnp.int32, (128, 128), 1)
    ltri = (c_i < r_i).astype(jnp.float32)
    c1 = lax.dot_general(mt, ltri, (((2,), (1,)), ((), ())),
                         preferred_element_type=jnp.float32)
    sg = jnp.sum(mt, axis=2)
    g_r = lax.broadcasted_iota(jnp.int32, (2 * TG, 2 * TG), 0)
    g_c = lax.broadcasted_iota(jnp.int32, (2 * TG, 2 * TG), 1)
    lg = (g_c < g_r).astype(jnp.float32)
    s2 = lax.dot_general(lg, sg, (((1,), (0,)), ((), ())),
                         preferred_element_type=jnp.float32)
    counts = jnp.sum(sg, axis=0, keepdims=True)
    cp = jnp.floor((counts + (BLK - 1)) / BLK) * BLK
    t8r = lax.broadcasted_iota(jnp.int32, (E, E), 0)
    t8c = lax.broadcasted_iota(jnp.int32, (E, E), 1)
    u = (t8r < t8c).astype(jnp.float32)
    po = lax.dot_general(cp, u, (((1,), (0,)), ((), ())),
                         preferred_element_type=jnp.float32)

    rank = c1 + s2[:, :, None]
    destf = jnp.sum(mt * (rank + po[:, :, None]), axis=1)
    dest_ref[...] = destf.astype(jnp.int32)

    bs = lax.broadcasted_iota(jnp.int32, (2 * TG, E), 0).astype(jnp.float32) * BLK
    ef = lax.broadcasted_iota(jnp.int32, (2 * TG, E), 1).astype(jnp.float32)
    in_reg = (bs >= po) & (bs < po + cp)
    bexp = jnp.sum(jnp.where(in_reg, ef, 0.0), axis=1, keepdims=True)
    nact = jnp.sum(cp) / BLK
    last_e = jnp.max(jnp.where(cp > 0.0, jnp.broadcast_to(
        lax.broadcasted_iota(jnp.int32, (1, E), 1).astype(jnp.float32), (1, E)),
        0.0))
    bi = lax.broadcasted_iota(jnp.int32, (2 * TG, 1), 0).astype(jnp.float32)
    is_act = bi < nact
    efl = jnp.where(is_act, bexp, last_e)
    redir = jnp.where(is_act, bi, nact - 1.0)
    meta = jnp.concatenate(
        [efl, is_act.astype(jnp.float32), redir, jnp.zeros_like(bi)], axis=1)
    bexp_ref[...] = meta.astype(jnp.int32)


def _router(x3, gwp):
    return pl.pallas_call(
        _router_body,
        out_shape=[
            jax.ShapeDtypeStruct((TG, 128, E), jnp.float32),
            jax.ShapeDtypeStruct((128, TG), jnp.float32),
            jax.ShapeDtypeStruct((128, TG), jnp.float32),
            jax.ShapeDtypeStruct((2 * TG, 128), jnp.int32),
            jax.ShapeDtypeStruct((2 * TG, 4), jnp.int32),
        ],
    )(x3, gwp)


@functools.lru_cache(maxsize=None)
def _make_scatter_rows():
    tok_pw = T // NW

    @functools.partial(
        pl.kernel,
        out_type=jax.ShapeDtypeStruct((NS, D), jnp.float32),
        mesh=_sc_mesh(),
        scratch_types=[
            pltpu.VMEM((tok_pw, D), jnp.float32),
            pltpu.VMEM((1, 128), jnp.int32),
            pltpu.VMEM((1, 128), jnp.int32),
            pltpu.SemaphoreType.DMA,
        ],
    )
    def _scatter_rows(x_hbm, dest_hbm, xs_hbm, rows_v, idx0_v, idx1_v, sem):
        wid = lax.axis_index("s") * 2 + lax.axis_index("c")
        row = wid // 2
        col = (wid % 2) * tok_pw
        pltpu.sync_copy(x_hbm.at[pl.ds(wid * tok_pw, tok_pw)], rows_v)
        pltpu.sync_copy(dest_hbm.at[pl.ds(row, 1)], idx0_v)
        pltpu.sync_copy(dest_hbm.at[pl.ds(TG + row, 1)], idx1_v)
        pltpu.async_copy(rows_v, xs_hbm.at[idx0_v.at[0, pl.ds(col, tok_pw)]],
                         sem).wait()
        pltpu.async_copy(rows_v, xs_hbm.at[idx1_v.at[0, pl.ds(col, tok_pw)]],
                         sem).wait()

    return _scatter_rows


@functools.lru_cache(maxsize=None)
def _make_row_gather():
    rows_pw = PAIRS // NW
    ch = 32

    @functools.partial(
        pl.kernel,
        out_type=jax.ShapeDtypeStruct((PAIRS, D), jnp.float32),
        mesh=_sc_mesh(),
        scratch_types=[
            pltpu.VMEM((1, rows_pw), jnp.int32),
            pltpu.VMEM((ch, D), jnp.float32),
            pltpu.SemaphoreType.DMA,
        ],
    )
    def _gather(table_hbm, idx_hbm, out_hbm, idx_v, rows_v, sem):
        wid = lax.axis_index("s") * 2 + lax.axis_index("c")
        pltpu.sync_copy(idx_hbm.at[pl.ds(wid, 1)], idx_v)

        @pl.loop(0, rows_pw, step=ch)
        def _(c):
            pltpu.async_copy(table_hbm.at[idx_v.at[0, pl.ds(c, ch)]], rows_v,
                             sem).wait()
            pltpu.sync_copy(rows_v, out_hbm.at[pl.ds(wid * rows_pw + c, ch)])

    return _gather


def _gmm_body(meta_ref, xs_ref, wg_ref, wu_ref, wd_ref, ys_ref):
    b = pl.program_id(0)

    @pl.when(meta_ref[b, 1] == 1)
    def _():
        xb = xs_ref[...]
        g = lax.dot_general(xb, wg_ref[0], (((1,), (1,)), ((), ())),
                            preferred_element_type=jnp.float32)
        u = lax.dot_general(xb, wu_ref[0], (((1,), (1,)), ((), ())),
                            preferred_element_type=jnp.float32)
        h = g * jax.nn.sigmoid(g) * u
        ys_ref[...] = lax.dot_general(h, wd_ref[0], (((1,), (1,)), ((), ())),
                                      preferred_element_type=jnp.float32)


def _gmm(meta, xs, w_gate, w_up, w_down):
    grid_spec = pltpu.PrefetchScalarGridSpec(
        num_scalar_prefetch=1,
        grid=(NBLK,),
        in_specs=[
            pl.BlockSpec((BLK, D), lambda b, m: (m[b, 2], 0)),
            pl.BlockSpec((1, F, D), lambda b, m: (m[b, 0], 0, 0)),
            pl.BlockSpec((1, F, D), lambda b, m: (m[b, 0], 0, 0)),
            pl.BlockSpec((1, D, F), lambda b, m: (m[b, 0], 0, 0)),
        ],
        out_specs=pl.BlockSpec((BLK, D), lambda b, m: (m[b, 2], 0)),
    )
    return pl.pallas_call(
        _gmm_body,
        grid_spec=grid_spec,
        out_shape=jax.ShapeDtypeStruct((NS, D), jnp.float32),
        compiler_params=pltpu.CompilerParams(vmem_limit_bytes=128 * 1024 * 1024),
    )(meta, xs, w_gate, w_up, w_down)


def _combine_body(g0_ref, g1_ref, w1_ref, w2_ref, out_ref):
    i = pl.program_id(0)
    sel = (lax.broadcasted_iota(jnp.int32, (128, TG), 1) == i).astype(jnp.float32)
    w1 = jnp.sum(w1_ref[...] * sel, axis=1, keepdims=True)
    w2 = jnp.sum(w2_ref[...] * sel, axis=1, keepdims=True)
    out_ref[...] = w1 * g0_ref[...] + w2 * g1_ref[...]


def _combine(g, w1t, w2t):
    return pl.pallas_call(
        _combine_body,
        grid=(TG,),
        in_specs=[
            pl.BlockSpec((128, D), lambda i: (i, 0)),
            pl.BlockSpec((128, D), lambda i: (i + TG, 0)),
            pl.BlockSpec((128, TG), lambda i: (0, 0)),
            pl.BlockSpec((128, TG), lambda i: (0, 0)),
        ],
        out_specs=pl.BlockSpec((128, D), lambda i: (i, 0)),
        out_shape=jax.ShapeDtypeStruct((T, D), jnp.float32),
    )(g, g, w1t, w2t)


def kernel(hidden_states, gate_w, w_gate, w_up, w_down):
    bsz, seq, _ = hidden_states.shape
    x2 = hidden_states.reshape(T, D)
    x3 = x2.reshape(TG, 128, D)

    logits3, w1t, w2t, dest2, meta = _router(x3, gate_w)
    xs = _make_scatter_rows()(x2, dest2)
    ys = _gmm(meta, xs, w_gate, w_up, w_down)
    g = _make_row_gather()(ys, dest2)
    out = _combine(g, w1t, w2t)
    return out.reshape(bsz, seq, D), logits3.reshape(T, E)

# --- scband reference (transcript-rebuilt; emitter-appended) ---
"""Pipeline reference for scband-epmoe-block-38920993636978 (READ-ONLY COPY).

The authoritative reference and input builder live on the scoring server;
editing this copy changes nothing except your own understanding.
"""

import jax, jax.numpy as jnp
import numpy as np

E = 8
TOP_K = 2
D_MODEL = 1024
D_FF = 2048


def setup_inputs(seed: int = 0) -> dict:
    key = jax.random.key(seed)
    ks = jax.random.split(key, 5)
    hidden_states = jax.random.normal(ks[0], (1, 2048, D_MODEL), dtype=jnp.float32)
    gate_w = jax.random.normal(ks[1], (E, D_MODEL), dtype=jnp.float32) * 0.02
    w_gate = jax.random.normal(ks[2], (E, D_FF, D_MODEL), dtype=jnp.float32) * 0.02
    w_up = jax.random.normal(ks[3], (E, D_FF, D_MODEL), dtype=jnp.float32) * 0.02
    w_down = jax.random.normal(ks[4], (E, D_MODEL, D_FF), dtype=jnp.float32) * 0.02
    return {"hidden_states": hidden_states, "gate_w": gate_w, "w_gate": w_gate, "w_up": w_up, "w_down": w_down}


def reference(hidden_states, gate_w, w_gate, w_up, w_down):
    bsz, seq, hidden_dim = hidden_states.shape
    x = hidden_states.reshape(-1, hidden_dim)
    # router gate (Linear without bias)
    router_logits = x @ gate_w.T  # [T, E]
    routing_weights = jax.nn.softmax(router_logits.astype(jnp.float32), axis=1)
    topk_weights, topk_indices = jax.lax.top_k(routing_weights, TOP_K)
    # norm_topk_prob = True
    topk_weights = topk_weights / jnp.sum(topk_weights, axis=-1, keepdims=True)
    topk_weights = topk_weights.astype(x.dtype)
    output = jnp.zeros_like(x)
    # ep_size = 1 -> all experts are local; all_reduce over a single-rank group is identity.
    # Dense-masked expert compute: per-token combine weight is zero for tokens not routed
    # to expert e, so this is mathematically identical to the gathered index_add_ in torch.
    for e in range(E):
        w_tok = jnp.sum(jnp.where(topk_indices == e, topk_weights, jnp.zeros_like(topk_weights)), axis=-1)  # [T]
        h = jax.nn.silu(x @ w_gate[e].T) * (x @ w_up[e].T)
        y = h @ w_down[e].T
        output = output + y * w_tok[:, None]
    return output.reshape(bsz, seq, hidden_dim), router_logits

if __name__ == "__main__":
    import jax
    _d = setup_inputs()
    print(jax.jit(kernel)(*tuple(_d.values())))

</pallas_src>

<mosaic_0001>
#map = affine_map<(d0, d1) -> (0, 0)>
module attributes {stable_mosaic.version = 14 : i64} {
  func.func @_scatter_rows(%arg0: i32, %arg1: i32, %arg2: memref<2048x1024xf32, #tpu.memory_space<hbm>>, %arg3: memref<32x128xi32, #tpu.memory_space<hbm>>, %arg4: memref<6144x1024xf32, #tpu.memory_space<hbm>>, %arg5: memref<64x1024xf32, #tpu.memory_space<vmem>>, %arg6: memref<1x128xi32, #tpu.memory_space<vmem>>, %arg7: memref<1x128xi32, #tpu.memory_space<vmem>>, %arg8: memref<!tpu.dma_semaphore, #tpu.memory_space<semaphore_mem>>) attributes {dimension_semantics = [#tpu.dimension_semantics<core_parallel>, #tpu.dimension_semantics<subcore_parallel>], iteration_bounds = array<i64: 2, 16>, scalar_prefetch = 0 : i64, scratch_operands = 4 : i64, tpu.core_type = #tpu.core_type<sc_vector_subcore>, window_params = [{transform_indices = #map}, {transform_indices = #map}, {transform_indices = #map}]} {
    %mul3A = arith.constant 2 : i32
    %mul3A_0 = arith.muli %arg1, %mul3A : i32
    %add3A = arith.addi %mul3A_0, %arg0 : i32
    %jit3A = arith.constant 2 : i32
    %div3A = arith.divsi %add3A, %jit3A : i32
    %sign3A = arith.constant 0 : i32
    %sign3A_1 = arith.cmpi sgt, %add3A, %sign3A : i32
    %sign3A_2 = arith.extui %sign3A_1 : i1 to i32
    %sign3A_3 = arith.constant 0 : i32
    %sign3A_4 = arith.cmpi slt, %add3A, %sign3A_3 : i32
    %sign3A_5 = arith.extui %sign3A_4 : i1 to i32
    %sign3A_6 = arith.subi %sign3A_2, %sign3A_5 : i32
    %sign3A_7 = arith.constant 0 : i32
    %sign3A_8 = arith.cmpi sgt, %jit3A, %sign3A_7 : i32
    %sign3A_9 = arith.extui %sign3A_8 : i1 to i32
    %sign3A_10 = arith.constant 0 : i32
    %sign3A_11 = arith.cmpi slt, %jit3A, %sign3A_10 : i32
    %sign3A_12 = arith.extui %sign3A_11 : i1 to i32
    %sign3A_13 = arith.subi %sign3A_9, %sign3A_12 : i32
    %ne3A = arith.cmpi ne, %sign3A_6, %sign3A_13 : i32
    %rem3A = arith.remsi %add3A, %jit3A : i32
    %ne3A_14 = arith.constant 0 : i32
    %ne3A_15 = arith.cmpi ne, %rem3A, %ne3A_14 : i32
    %and3A = arith.andi %ne3A, %ne3A_15 : i1
    %sub3A = arith.constant 1 : i32
    %sub3A_16 = arith.subi %div3A, %sub3A : i32
    %select_n3A = arith.select %and3A, %sub3A_16, %div3A : i32
    %jit3A_17 = arith.constant 2 : i32
    %eq3A = arith.constant 0 : i32
    %eq3A_18 = arith.cmpi eq, %jit3A_17, %eq3A : i32
    %jit3A_19 = arith.constant 1 : i32
    %select_n3A_20 = arith.select %eq3A_18, %jit3A_19, %jit3A_17 : i32
    %rem3A_21 = arith.remsi %add3A, %select_n3A_20 : i32
    %ne3A_22 = arith.constant 0 : i32
    %ne3A_23 = arith.cmpi ne, %rem3A_21, %ne3A_22 : i32
    %lt3A = arith.constant 0 : i32
    %lt3A_24 = arith.cmpi slt, %rem3A_21, %lt3A : i32
    %lt3A_25 = arith.constant 0 : i32
    %lt3A_26 = arith.cmpi slt, %select_n3A_20, %lt3A_25 : i32
    %ne3A_27 = arith.xori %lt3A_24, %lt3A_26 : i1
    %and3A_28 = arith.andi %ne3A_27, %ne3A_23 : i1
    %add3A_29 = arith.addi %rem3A_21, %select_n3A_20 : i32
    %select_n3A_30 = arith.select %and3A_28, %add3A_29, %rem3A_21 : i32
    %mul3A_31 = arith.constant 64 : i32
    %mul3A_32 = arith.muli %select_n3A_30, %mul3A_31 : i32
    %mul3A_33 = arith.constant 64 : i32
    %mul3A_34 = arith.muli %add3A, %mul3A_33 : i32
    "tpu.region"() ({
      %run_scoped3A = tpu.sem_alloc : memref<!tpu.dma_semaphore, #tpu.memory_space<semaphore_mem>>
      %dma_start3A_59 = arith.constant 0 : i32
      %dma_start3A_60 = tpu.memref_slice %arg2[%mul3A_34, %dma_start3A_59] : memref<2048x1024xf32, #tpu.memory_space<hbm>> -> memref<64x1024xf32, #tpu.memory_space<hbm>>
      %dma_start3A_61 = arith.constant 0 : i32
      %dma_start3A_62 = tpu.memref_slice %arg2[%mul3A_34, %dma_start3A_61] : memref<2048x1024xf32, #tpu.memory_space<hbm>> -> memref<64x1024xf32, #tpu.memory_space<hbm>>
      tpu.enqueue_dma source(%dma_start3A_62 : memref<64x1024xf32, #tpu.memory_space<hbm>>) target(%arg5 : memref<64x1024xf32, #tpu.memory_space<vmem>>) target_semaphore(%run_scoped3A : memref<!tpu.dma_semaphore, #tpu.memory_space<semaphore_mem>>)
      %dma_wait3A_63 = arith.constant 0 : i32
      %dma_wait3A_64 = tpu.memref_slice %arg2[%mul3A_34, %dma_wait3A_63] : memref<2048x1024xf32, #tpu.memory_space<hbm>> -> memref<64x1024xf32, #tpu.memory_space<hbm>>
      %dma_wait3A_65 = arith.constant 0 : i32
      %dma_wait3A_66 = tpu.memref_slice %arg2[%mul3A_34, %dma_wait3A_65] : memref<2048x1024xf32, #tpu.memory_space<hbm>> -> memref<64x1024xf32, #tpu.memory_space<hbm>>
      tpu.wait_dma2 semaphore(%run_scoped3A : memref<!tpu.dma_semaphore, #tpu.memory_space<semaphore_mem>>) src(%dma_wait3A_66 : memref<64x1024xf32, #tpu.memory_space<hbm>>) dst(%arg5 : memref<64x1024xf32, #tpu.memory_space<vmem>>)
      tpu.yield
    }) : () -> ()
    "tpu.region"() ({
      %run_scoped3A = tpu.sem_alloc : memref<!tpu.dma_semaphore, #tpu.memory_space<semaphore_mem>>
      %dma_start3A_59 = arith.constant 0 : i32
      %dma_start3A_60 = tpu.memref_slice %arg3[%select_n3A, %dma_start3A_59] : memref<32x128xi32, #tpu.memory_space<hbm>> -> memref<1x128xi32, #tpu.memory_space<hbm>>
      %dma_start3A_61 = arith.constant 0 : i32
      %dma_start3A_62 = tpu.memref_slice %arg3[%select_n3A, %dma_start3A_61] : memref<32x128xi32, #tpu.memory_space<hbm>> -> memref<1x128xi32, #tpu.memory_space<hbm>>
      tpu.enqueue_dma source(%dma_start3A_62 : memref<1x128xi32, #tpu.memory_space<hbm>>) target(%arg6 : memref<1x128xi32, #tpu.memory_space<vmem>>) target_semaphore(%run_scoped3A : memref<!tpu.dma_semaphore, #tpu.memory_space<semaphore_mem>>)
      %dma_wait3A_63 = arith.constant 0 : i32
      %dma_wait3A_64 = tpu.memref_slice %arg3[%select_n3A, %dma_wait3A_63] : memref<32x128xi32, #tpu.memory_space<hbm>> -> memref<1x128xi32, #tpu.memory_space<hbm>>
      %dma_wait3A_65 = arith.constant 0 : i32
      %dma_wait3A_66 = tpu.memref_slice %arg3[%select_n3A, %dma_wait3A_65] : memref<32x128xi32, #tpu.memory_space<hbm>> -> memref<1x128xi32, #tpu.memory_space<hbm>>
      tpu.wait_dma2 semaphore(%run_scoped3A : memref<!tpu.dma_semaphore, #tpu.memory_space<semaphore_mem>>) src(%dma_wait3A_66 : memref<1x128xi32, #tpu.memory_space<hbm>>) dst(%arg6 : memref<1x128xi32, #tpu.memory_space<vmem>>)
      tpu.yield
    }) : () -> ()
    %add3A_35 = arith.constant 16 : i32
    %add3A_36 = arith.addi %add3A_35, %select_n3A : i32
    "tpu.region"() ({
      %run_scoped3A = tpu.sem_alloc : memref<!tpu.dma_semaphore, #tpu.memory_space<semaphore_mem>>
      %dma_start3A_59 = arith.constant 0 : i32
      %dma_start3A_60 = tpu.memref_slice %arg3[%add3A_36, %dma_start3A_59] : memref<32x128xi32, #tpu.memory_space<hbm>> -> memref<1x128xi32, #tpu.memory_space<hbm>>
      %dma_start3A_61 = arith.constant 0 : i32
      %dma_start3A_62 = tpu.memref_slice %arg3[%add3A_36, %dma_start3A_61] : memref<32x128xi32, #tpu.memory_space<hbm>> -> memref<1x128xi32, #tpu.memory_space<hbm>>
      tpu.enqueue_dma source(%dma_start3A_62 : memref<1x128xi32, #tpu.memory_space<hbm>>) target(%arg7 : memref<1x128xi32, #tpu.memory_space<vmem>>) target_semaphore(%run_scoped3A : memref<!tpu.dma_semaphore, #tpu.memory_space<semaphore_mem>>)
      %dma_wait3A_63 = arith.constant 0 : i32
      %dma_wait3A_64 = tpu.memref_slice %arg3[%add3A_36, %dma_wait3A_63] : memref<32x128xi32, #tpu.memory_space<hbm>> -> memref<1x128xi32, #tpu.memory_space<hbm>>
      %dma_wait3A_65 = arith.constant 0 : i32
      %dma_wait3A_66 = tpu.memref_slice %arg3[%add3A_36, %dma_wait3A_65] : memref<32x128xi32, #tpu.memory_space<hbm>> -> memref<1x128xi32, #tpu.memory_space<hbm>>
      tpu.wait_dma2 semaphore(%run_scoped3A : memref<!tpu.dma_semaphore, #tpu.memory_space<semaphore_mem>>) src(%dma_wait3A_66 : memref<1x128xi32, #tpu.memory_space<hbm>>) dst(%arg7 : memref<1x128xi32, #tpu.memory_space<vmem>>)
      tpu.yield
    }) : () -> ()
    %dma_start3A = arith.constant 0 : i32
    %dma_start3A_37 = tpu.memref_slice %arg6[%dma_start3A, %mul3A_32] : memref<1x128xi32, #tpu.memory_space<vmem>> -> memref<1x64xi32, #tpu.memory_space<vmem>>
    %dma_start3A_38 = tpu.memref_squeeze %dma_start3A_37 : memref<1x64xi32, #tpu.memory_space<vmem>> -> memref<64xi32, #tpu.memory_space<vmem>>
    %dma_start3A_39 = arith.constant 0 : i32
    %dma_start3A_40 = arith.constant 0 : i32
    %dma_start3A_41 = tpu.memref_slice %arg4[%dma_start3A_39, %dma_start3A_40] : memref<6144x1024xf32, #tpu.memory_space<hbm>> -> memref<6144x1024xf32, #tpu.memory_space<hbm>>
    tpu.enqueue_indirect_dma source(%arg5 : memref<64x1024xf32, #tpu.memory_space<vmem>>) target(%dma_start3A_41 : memref<6144x1024xf32, #tpu.memory_space<hbm>>) offsets(%dma_start3A_38 : memref<64xi32, #tpu.memory_space<vmem>>) semaphore(%arg8 : memref<!tpu.dma_semaphore, #tpu.memory_space<semaphore_mem>>)
    %dma_wait3A = arith.constant 0 : i32
    %dma_wait3A_42 = tpu.memref_slice %arg6[%dma_wait3A, %mul3A_32] : memref<1x128xi32, #tpu.memory_space<vmem>> -> memref<1x64xi32, #tpu.memory_space<vmem>>
    %dma_wait3A_43 = tpu.memref_squeeze %dma_wait3A_42 : memref<1x64xi32, #tpu.memory_space<vmem>> -> memref<64xi32, #tpu.memory_space<vmem>>
    %dma_wait3A_44 = arith.constant 0 : i32
    %dma_wait3A_45 = arith.constant 0 : i32
    %dma_wait3A_46 = tpu.memref_slice %arg4[%dma_wait3A_44, %dma_wait3A_45] : memref<6144x1024xf32, #tpu.memory_space<hbm>> -> memref<6144x1024xf32, #tpu.memory_space<hbm>>
    tpu.wait_indirect_dma semaphore(%arg8 : memref<!tpu.dma_semaphore, #tpu.memory_space<semaphore_mem>>) src(%arg5 : memref<64x1024xf32, #tpu.memory_space<vmem>>) dst(%dma_wait3A_46 : memref<6144x1024xf32, #tpu.memory_space<hbm>>)
    %dma_start3A_47 = arith.constant 0 : i32
    %dma_start3A_48 = tpu.memref_slice %arg7[%dma_start3A_47, %mul3A_32] : memref<1x128xi32, #tpu.memory_space<vmem>> -> memref<1x64xi32, #tpu.memory_space<vmem>>
    %dma_start3A_49 = tpu.memref_squeeze %dma_start3A_48 : memref<1x64xi32, #tpu.memory_space<vmem>> -> memref<64xi32, #tpu.memory_space<vmem>>
    %dma_start3A_50 = arith.constant 0 : i32
    %dma_start3A_51 = arith.constant 0 : i32
    %dma_start3A_52 = tpu.memref_slice %arg4[%dma_start3A_50, %dma_start3A_51] : memref<6144x1024xf32, #tpu.memory_space<hbm>> -> memref<6144x1024xf32, #tpu.memory_space<hbm>>
    tpu.enqueue_indirect_dma source(%arg5 : memref<64x1024xf32, #tpu.memory_space<vmem>>) target(%dma_start3A_52 : memref<6144x1024xf32, #tpu.memory_space<hbm>>) offsets(%dma_start3A_49 : memref<64xi32, #tpu.memory_space<vmem>>) semaphore(%arg8 : memref<!tpu.dma_semaphore, #tpu.memory_space<semaphore_mem>>)
    %dma_wait3A_53 = arith.constant 0 : i32
    %dma_wait3A_54 = tpu.memref_slice %arg7[%dma_wait3A_53, %mul3A_32] : memref<1x128xi32, #tpu.memory_space<vmem>> -> memref<1x64xi32, #tpu.memory_space<vmem>>
    %dma_wait3A_55 = tpu.memref_squeeze %dma_wait3A_54 : memref<1x64xi32, #tpu.memory_space<vmem>> -> memref<64xi32, #tpu.memory_space<vmem>>
    %dma_wait3A_56 = arith.constant 0 : i32
    %dma_wait3A_57 = arith.constant 0 : i32
    %dma_wait3A_58 = tpu.memref_slice %arg4[%dma_wait3A_56, %dma_wait3A_57] : memref<6144x1024xf32, #tpu.memory_space<hbm>> -> memref<6144x1024xf32, #tpu.memory_space<hbm>>
    tpu.wait_indirect_dma semaphore(%arg8 : memref<!tpu.dma_semaphore, #tpu.memory_space<semaphore_mem>>) src(%arg5 : memref<64x1024xf32, #tpu.memory_space<vmem>>) dst(%dma_wait3A_58 : memref<6144x1024xf32, #tpu.memory_space<hbm>>)
    return
  }
}

#map = affine_map<(d0, d1) -> (0, 0)>
module attributes {stable_mosaic.version = 14 : i64} {
  func.func @_gather(%arg0: i32, %arg1: i32, %arg2: memref<6144x1024xf32, #tpu.memory_space<hbm>>, %arg3: memref<32x128xi32, #tpu.memory_space<hbm>>, %arg4: memref<4096x1024xf32, #tpu.memory_space<hbm>>, %arg5: memref<1x128xi32, #tpu.memory_space<vmem>>, %arg6: memref<32x1024xf32, #tpu.memory_space<vmem>>, %arg7: memref<!tpu.dma_semaphore, #tpu.memory_space<semaphore_mem>>) attributes {dimension_semantics = [#tpu.dimension_semantics<core_parallel>, #tpu.dimension_semantics<subcore_parallel>], iteration_bounds = array<i64: 2, 16>, scalar_prefetch = 0 : i64, scratch_operands = 3 : i64, tpu.core_type = #tpu.core_type<sc_vector_subcore>, window_params = [{transform_indices = #map}, {transform_indices = #map}, {transform_indices = #map}]} {
    %mul3A = arith.constant 2 : i32
    %mul3A_0 = arith.muli %arg1, %mul3A : i32
    %add3A = arith.addi %mul3A_0, %arg0 : i32
    "tpu.region"() ({
      %run_scoped3A = tpu.sem_alloc : memref<!tpu.dma_semaphore, #tpu.memory_space<semaphore_mem>>
      %dma_start3A = arith.constant 0 : i32
      %dma_start3A_5 = tpu.memref_slice %arg3[%add3A, %dma_start3A] : memref<32x128xi32, #tpu.memory_space<hbm>> -> memref<1x128xi32, #tpu.memory_space<hbm>>
      %dma_start3A_6 = arith.constant 0 : i32
      %dma_start3A_7 = tpu.memref_slice %arg3[%add3A, %dma_start3A_6] : memref<32x128xi32, #tpu.memory_space<hbm>> -> memref<1x128xi32, #tpu.memory_space<hbm>>
      tpu.enqueue_dma source(%dma_start3A_7 : memref<1x128xi32, #tpu.memory_space<hbm>>) target(%arg5 : memref<1x128xi32, #tpu.memory_space<vmem>>) target_semaphore(%run_scoped3A : memref<!tpu.dma_semaphore, #tpu.memory_space<semaphore_mem>>)
      %dma_wait3A = arith.constant 0 : i32
      %dma_wait3A_8 = tpu.memref_slice %arg3[%add3A, %dma_wait3A] : memref<32x128xi32, #tpu.memory_space<hbm>> -> memref<1x128xi32, #tpu.memory_space<hbm>>
      %dma_wait3A_9 = arith.constant 0 : i32
      %dma_wait3A_10 = tpu.memref_slice %arg3[%add3A, %dma_wait3A_9] : memref<32x128xi32, #tpu.memory_space<hbm>> -> memref<1x128xi32, #tpu.memory_space<hbm>>
      tpu.wait_dma2 semaphore(%run_scoped3A : memref<!tpu.dma_semaphore, #tpu.memory_space<semaphore_mem>>) src(%dma_wait3A_10 : memref<1x128xi32, #tpu.memory_space<hbm>>) dst(%arg5 : memref<1x128xi32, #tpu.memory_space<vmem>>)
      tpu.yield
    }) : () -> ()
    %scan3A = arith.constant 0 : i32
    %scan3A_1 = arith.constant 4 : i32
    %scan3A_2 = arith.addi %scan3A, %scan3A_1 : i32
    %scan3A_3 = arith.constant 1 : i32
    scf.for %scan3A_5 = %scan3A to %scan3A_2 step %scan3A_3  : i32 {
      %mul3A_6 = arith.constant 32 : i32
      %mul3A_7 = arith.muli %scan3A_5, %mul3A_6 : i32
      %add3A_8 = arith.constant 0 : i32
      %add3A_9 = arith.addi %add3A_8, %mul3A_7 : i32
      %dma_start3A = arith.constant 0 : i32
      %dma_start3A_10 = tpu.memref_slice %arg5[%dma_start3A, %add3A_9] : memref<1x128xi32, #tpu.memory_space<vmem>> -> memref<1x32xi32, #tpu.memory_space<vmem>>
      %dma_start3A_11 = tpu.memref_squeeze %dma_start3A_10 : memref<1x32xi32, #tpu.memory_space<vmem>> -> memref<32xi32, #tpu.memory_space<vmem>>
      %dma_start3A_12 = arith.constant 0 : i32
      %dma_start3A_13 = arith.constant 0 : i32
      %dma_start3A_14 = tpu.memref_slice %arg2[%dma_start3A_12, %dma_start3A_13] : memref<6144x1024xf32, #tpu.memory_space<hbm>> -> memref<6144x1024xf32, #tpu.memory_space<hbm>>
      tpu.enqueue_indirect_dma source(%dma_start3A_14 : memref<6144x1024xf32, #tpu.memory_space<hbm>>) target(%arg6 : memref<32x1024xf32, #tpu.memory_space<vmem>>) offsets(%dma_start3A_11 : memref<32xi32, #tpu.memory_space<vmem>>) semaphore(%arg7 : memref<!tpu.dma_semaphore, #tpu.memory_space<semaphore_mem>>)
      %dma_wait3A = arith.constant 0 : i32
      %dma_wait3A_15 = tpu.memref_slice %arg5[%dma_wait3A, %add3A_9] : memref<1x128xi32, #tpu.memory_space<vmem>> -> memref<1x32xi32, #tpu.memory_space<vmem>>
      %dma_wait3A_16 = tpu.memref_squeeze %dma_wait3A_15 : memref<1x32xi32, #tpu.memory_space<vmem>> -> memref<32xi32, #tpu.memory_space<vmem>>
      %dma_wait3A_17 = arith.constant 0 : i32
      %dma_wait3A_18 = arith.constant 0 : i32
      %dma_wait3A_19 = tpu.memref_slice %arg2[%dma_wait3A_17, %dma_wait3A_18] : memref<6144x1024xf32, #tpu.memory_space<hbm>> -> memref<6144x1024xf32, #tpu.memory_space<hbm>>
      tpu.wait_indirect_dma semaphore(%arg7 : memref<!tpu.dma_semaphore, #tpu.memory_space<semaphore_mem>>) src(%dma_wait3A_19 : memref<6144x1024xf32, #tpu.memory_space<hbm>>) dst(%arg6 : memref<32x1024xf32, #tpu.memory_space<vmem>>)
      %mul3A_20 = arith.constant 128 : i32
      %mul3A_21 = arith.muli %add3A, %mul3A_20 : i32
      %add3A_22 = arith.addi %mul3A_21, %add3A_9 : i32
      "tpu.region"() ({
        %run_scoped3A = tpu.sem_alloc : memref<!tpu.dma_semaphore, #tpu.memory_space<semaphore_mem>>
        %dma_start3A_23 = arith.constant 0 : i32
        %dma_start3A_24 = tpu.memref_slice %arg4[%add3A_22, %dma_start3A_23] : memref<4096x1024xf32, #tpu.memory_space<hbm>> -> memref<32x1024xf32, #tpu.memory_space<hbm>>
        %dma_start3A_25 = arith.constant 0 : i32
        %dma_start3A_26 = tpu.memref_slice %arg4[%add3A_22, %dma_start3A_25] : memref<4096x1024xf32, #tpu.memory_space<hbm>> -> memref<32x1024xf32, #tpu.memory_space<hbm>>
        tpu.enqueue_dma source(%arg6 : memref<32x1024xf32, #tpu.memory_space<vmem>>) target(%dma_start3A_26 : memref<32x1024xf32, #tpu.memory_space<hbm>>) target_semaphore(%run_scoped3A : memref<!tpu.dma_semaphore, #tpu.memory_space<semaphore_mem>>)
        %dma_wait3A_27 = arith.constant 0 : i32
        %dma_wait3A_28 = tpu.memref_slice %arg4[%add3A_22, %dma_wait3A_27] : memref<4096x1024xf32, #tpu.memory_space<hbm>> -> memref<32x1024xf32, #tpu.memory_space<hbm>>
        %dma_wait3A_29 = arith.constant 0 : i32
        %dma_wait3A_30 = tpu.memref_slice %arg4[%add3A_22, %dma_wait3A_29] : memref<4096x1024xf32, #tpu.memory_space<hbm>> -> memref<32x1024xf32, #tpu.memory_space<hbm>>
        tpu.wait_dma2 semaphore(%run_scoped3A : memref<!tpu.dma_semaphore, #tpu.memory_space<semaphore_mem>>) src(%arg6 : memref<32x1024xf32, #tpu.memory_space<vmem>>) dst(%dma_wait3A_30 : memref<32x1024xf32, #tpu.memory_space<hbm>>)
        tpu.yield
      }) : () -> ()
    }
    %scan3A_4 = arith.constant 4 : i32
    return
  }
}

module attributes {stable_mosaic.version = 14 : i64} {
  func.func @_gmm_body(%arg0: i32, %arg1: memref<32x4xi32, #tpu.memory_space<smem>>, %arg2: memref<256x1024xf32, #tpu.memory_space<vmem>>, %arg3: memref<1x2048x1024xf32, #tpu.memory_space<vmem>>, %arg4: memref<1x2048x1024xf32, #tpu.memory_space<vmem>>, %arg5: memref<1x1024x2048xf32, #tpu.memory_space<vmem>>, %arg6: memref<256x1024xf32, #tpu.memory_space<vmem>>) attributes {dimension_semantics = [#tpu.dimension_semantics<arbitrary>], iteration_bounds = array<i64: 24>, scalar_prefetch = 1 : i64, scratch_operands = 0 : i64, tpu.core_type = #tpu.core_type<tc>, window_params = [{transform_indices = @transform_0, window_bounds = array<i64: 256, 1024>}, {transform_indices = @transform_1, window_bounds = array<i64: 1, 2048, 1024>}, {transform_indices = @transform_2, window_bounds = array<i64: 1, 2048, 1024>}, {transform_indices = @transform_3, window_bounds = array<i64: 1, 1024, 2048>}, {transform_indices = @transform_4, window_bounds = array<i64: 256, 1024>}]} {
    %get3A = arith.index_cast %arg0 : i32 to index
    %get3A_0 = arith.constant 1 : index
    %get3A_1 = memref.load %arg1[%get3A, %get3A_0] : memref<32x4xi32, #tpu.memory_space<smem>>
    %eq3A = arith.constant 1 : i32
    %eq3A_2 = arith.cmpi eq, %get3A_1, %eq3A : i32
    %convert_element_type3A = arith.extui %eq3A_2 : i1 to i32
    %cond3A = arith.constant 0 : i32
    %cond3A_3 = arith.cmpi ne, %convert_element_type3A, %cond3A : i32
    scf.if %cond3A_3 {
      %get3A_4 = arith.constant 0 : index
      %get3A_5 = arith.constant 0 : index
      %get3A_6 = vector.load %arg2[%get3A_4, %get3A_5] : memref<256x1024xf32, #tpu.memory_space<vmem>>, vector<256x1024xf32>
      %get3A_7 = arith.constant 0 : index
      %get3A_8 = arith.constant 0 : index
      %get3A_9 = arith.constant 0 : index
      %get3A_10 = vector.load %arg3[%get3A_7, %get3A_8, %get3A_9] : memref<1x2048x1024xf32, #tpu.memory_space<vmem>>, vector<1x2048x1024xf32>
      %get3A_11 = vector.shape_cast %get3A_10 : vector<1x2048x1024xf32> to vector<2048x1024xf32>
      %dot_general3A = arith.constant dense<0.000000e+00> : vector<256x2048xf32>
      %dot_general3A_12 = tpu.matmul %get3A_6, %get3A_11, %dot_general3A {dimension_numbers = #tpu.dot_dimension_numbers<[1], [1], [0], [0], [0, 0, 1, 0], [], []>, transpose_lhs_hint = false} : vector<256x1024xf32>, vector<2048x1024xf32>, vector<256x2048xf32> -> vector<256x2048xf32>
      %get3A_13 = arith.constant 0 : index
      %get3A_14 = arith.constant 0 : index
      %get3A_15 = arith.constant 0 : index
      %get3A_16 = vector.load %arg4[%get3A_13, %get3A_14, %get3A_15] : memref<1x2048x1024xf32, #tpu.memory_space<vmem>>, vector<1x2048x1024xf32>
      %get3A_17 = vector.shape_cast %get3A_16 : vector<1x2048x1024xf32> to vector<2048x1024xf32>
      %dot_general3A_18 = arith.constant dense<0.000000e+00> : vector<256x2048xf32>
      %dot_general3A_19 = tpu.matmul %get3A_6, %get3A_17, %dot_general3A_18 {dimension_numbers = #tpu.dot_dimension_numbers<[1], [1], [0], [0], [0, 0, 1, 0], [], []>, transpose_lhs_hint = false} : vector<256x1024xf32>, vector<2048x1024xf32>, vector<256x2048xf32> -> vector<256x2048xf32>
      %logistic3A = arith.negf %dot_general3A_12 : vector<256x2048xf32>
      %logistic3A_20 = math.exp %logistic3A : vector<256x2048xf32>
      %logistic3A_21 = arith.constant 1.000000e+00 : f32
      %logistic3A_22 = vector.broadcast %logistic3A_21 : f32 to vector<256x2048xf32>
      %logistic3A_23 = arith.addf %logistic3A_22, %logistic3A_20 : vector<256x2048xf32>
      %logistic3A_24 = arith.divf %logistic3A_22, %logistic3A_23 : vector<256x2048xf32>
      %mul3A = arith.mulf %dot_general3A_12, %logistic3A_24 : vector<256x2048xf32>
      %mul3A_25 = arith.mulf %mul3A, %dot_general3A_19 : vector<256x2048xf32>
      %get3A_26 = arith.constant 0 : index
      %get3A_27 = arith.constant 0 : index
      %get3A_28 = arith.constant 0 : index
      %get3A_29 = vector.load %arg5[%get3A_26, %get3A_27, %get3A_28] : memref<1x1024x2048xf32, #tpu.memory_space<vmem>>, vector<1x1024x2048xf32>
      %get3A_30 = vector.shape_cast %get3A_29 : vector<1x1024x2048xf32> to vector<1024x2048xf32>
      %dot_general3A_31 = arith.constant dense<0.000000e+00> : vector<256x1024xf32>
      %dot_general3A_32 = tpu.matmul %mul3A_25, %get3A_30, %dot_general3A_31 {dimension_numbers = #tpu.dot_dimension_numbers<[1], [1], [0], [0], [0, 0, 1, 0], [], []>, transpose_lhs_hint = false} : vector<256x2048xf32>, vector<1024x2048xf32>, vector<256x1024xf32> -> vector<256x1024xf32>
      %swap3A = arith.constant 0 : index
      %swap3A_33 = arith.constant 0 : index
      %swap3A_34 = vector.load %arg6[%swap3A, %swap3A_33] : memref<256x1024xf32, #tpu.memory_space<vmem>>, vector<256x1024xf32>
      tpu.vector_store %arg6[%swap3A, %swap3A_33], %dot_general3A_32 {strides = array<i32>} : memref<256x1024xf32, #tpu.memory_space<vmem>>, vector<256x1024xf32>,
    } else {
    }
    return
  }
  func.func @transform_0(%arg0: i32, %arg1: memref<32x4xi32, #tpu.memory_space<smem>>) -> (i32, i32) {
    %get3A = arith.index_cast %arg0 : i32 to index
    %get3A_0 = arith.constant 2 : index
    %get3A_1 = memref.load %arg1[%get3A, %get3A_0] : memref<32x4xi32, #tpu.memory_space<smem>>
    %c0_i32 = arith.constant 0 : i32
    %c0_i32_2 = arith.constant 0 : i32
    return %get3A_1, %c0_i32 : i32, i32
  }
  func.func @transform_1(%arg0: i32, %arg1: memref<32x4xi32, #tpu.memory_space<smem>>) -> (i32, i32, i32) {
    %get3A = arith.index_cast %arg0 : i32 to index
    %get3A_0 = arith.constant 0 : index
    %get3A_1 = memref.load %arg1[%get3A, %get3A_0] : memref<32x4xi32, #tpu.memory_space<smem>>
    %c0_i32 = arith.constant 0 : i32
    %c0_i32_2 = arith.constant 0 : i32
    %c0_i32_3 = arith.constant 0 : i32
    return %get3A_1, %c0_i32, %c0_i32_2 : i32, i32, i32
  }
  func.func @transform_2(%arg0: i32, %arg1: memref<32x4xi32, #tpu.memory_space<smem>>) -> (i32, i32, i32) {
    %get3A = arith.index_cast %arg0 : i32 to index
    %get3A_0 = arith.constant 0 : index
    %get3A_1 = memref.load %arg1[%get3A, %get3A_0] : memref<32x4xi32, #tpu.memory_space<smem>>
    %c0_i32 = arith.constant 0 : i32
    %c0_i32_2 = arith.constant 0 : i32
    %c0_i32_3 = arith.constant 0 : i32
    return %get3A_1, %c0_i32, %c0_i32_2 : i32, i32, i32
  }
  func.func @transform_3(%arg0: i32, %arg1: memref<32x4xi32, #tpu.memory_space<smem>>) -> (i32, i32, i32) {
    %get3A = arith.index_cast %arg0 : i32 to index
    %get3A_0 = arith.constant 0 : index
    %get3A_1 = memref.load %arg1[%get3A, %get3A_0] : memref<32x4xi32, #tpu.memory_space<smem>>
    %c0_i32 = arith.constant 0 : i32
    %c0_i32_2 = arith.constant 0 : i32
    %c0_i32_3 = arith.constant 0 : i32
    return %get3A_1, %c0_i32, %c0_i32_2 : i32, i32, i32
  }
  func.func @transform_4(%arg0: i32, %arg1: memref<32x4xi32, #tpu.memory_space<smem>>) -> (i32, i32) {
    %get3A = arith.index_cast %arg0 : i32 to index
    %get3A_0 = arith.constant 2 : index
    %get3A_1 = memref.load %arg1[%get3A, %get3A_0] : memref<32x4xi32, #tpu.memory_space<smem>>
    %c0_i32 = arith.constant 0 : i32
    %c0_i32_2 = arith.constant 0 : i32
    return %get3A_1, %c0_i32 : i32, i32
  }
}

module attributes {stable_mosaic.version = 14 : i64} {
  func.func @_combine_body(%arg0: i32, %arg1: memref<128x1024xf32, #tpu.memory_space<vmem>>, %arg2: memref<128x1024xf32, #tpu.memory_space<vmem>>, %arg3: memref<128x16xf32, #tpu.memory_space<vmem>>, %arg4: memref<128x16xf32, #tpu.memory_space<vmem>>, %arg5: memref<128x1024xf32, #tpu.memory_space<vmem>>) attributes {dimension_semantics = [#tpu.dimension_semantics<arbitrary>], iteration_bounds = array<i64: 16>, scalar_prefetch = 0 : i64, scratch_operands = 0 : i64, tpu.core_type = #tpu.core_type<tc>, window_params = [{transform_indices = @transform_0, window_bounds = array<i64: 128, 1024>}, {transform_indices = @transform_1, window_bounds = array<i64: 128, 1024>}, {pipeline_mode = #tpu.pipeline_mode<synchronous>, transform_indices = @transform_2, window_bounds = array<i64: 128, 16>}, {pipeline_mode = #tpu.pipeline_mode<synchronous>, transform_indices = @transform_3, window_bounds = array<i64: 128, 16>}, {transform_indices = @transform_4, window_bounds = array<i64: 128, 1024>}]} {
    %iota3A = tpu.iota {dimensions = array<i32: 1>} : vector<128x16xi32>
    %eq3A = vector.broadcast %arg0 : i32 to vector<128x16xi32>
    %eq3A_0 = arith.cmpi eq, %iota3A, %eq3A : vector<128x16xi32>
    %convert_element_type3A = arith.extui %eq3A_0 : vector<128x16xi1> to vector<128x16xi32>
    %convert_element_type3A_1 = arith.sitofp %convert_element_type3A : vector<128x16xi32> to vector<128x16xf32>
    %get3A = arith.constant 0 : index
    %get3A_2 = arith.constant 0 : index
    %get3A_3 = vector.load %arg3[%get3A, %get3A_2] : memref<128x16xf32, #tpu.memory_space<vmem>>, vector<128x16xf32>
    %mul3A = arith.mulf %get3A_3, %convert_element_type3A_1 : vector<128x16xf32>
    %reduce_sum3A = arith.constant dense<0.000000e+00> : vector<128xf32>
    %reduce_sum3A_4 = vector.multi_reduction <add>, %mul3A, %reduce_sum3A [1] : vector<128x16xf32> to vector<128xf32>
    %broadcast_in_dim3A = vector.shape_cast %reduce_sum3A_4 : vector<128xf32> to vector<128x1xf32>
    %get3A_5 = arith.constant 0 : index
    %get3A_6 = arith.constant 0 : index
    %get3A_7 = vector.load %arg4[%get3A_5, %get3A_6] : memref<128x16xf32, #tpu.memory_space<vmem>>, vector<128x16xf32>
    %mul3A_8 = arith.mulf %get3A_7, %convert_element_type3A_1 : vector<128x16xf32>
    %reduce_sum3A_9 = arith.constant dense<0.000000e+00> : vector<128xf32>
    %reduce_sum3A_10 = vector.multi_reduction <add>, %mul3A_8, %reduce_sum3A_9 [1] : vector<128x16xf32> to vector<128xf32>
    %broadcast_in_dim3A_11 = vector.shape_cast %reduce_sum3A_10 : vector<128xf32> to vector<128x1xf32>
    %get3A_12 = arith.constant 0 : index
    %get3A_13 = arith.constant 0 : index
    %get3A_14 = vector.load %arg1[%get3A_12, %get3A_13] : memref<128x1024xf32, #tpu.memory_space<vmem>>, vector<128x1024xf32>
    %mul3A_15 = vector.broadcast %broadcast_in_dim3A : vector<128x1xf32> to vector<128x1024xf32>
    %mul3A_16 = arith.mulf %mul3A_15, %get3A_14 : vector<128x1024xf32>
    %get3A_17 = arith.constant 0 : index
    %get3A_18 = arith.constant 0 : index
    %get3A_19 = vector.load %arg2[%get3A_17, %get3A_18] : memref<128x1024xf32, #tpu.memory_space<vmem>>, vector<128x1024xf32>
    %mul3A_20 = vector.broadcast %broadcast_in_dim3A_11 : vector<128x1xf32> to vector<128x1024xf32>
    %mul3A_21 = arith.mulf %mul3A_20, %get3A_19 : vector<128x1024xf32>
    %add3A = arith.addf %mul3A_16, %mul3A_21 : vector<128x1024xf32>
    %swap3A = arith.constant 0 : index
    %swap3A_22 = arith.constant 0 : index
    %swap3A_23 = vector.load %arg5[%swap3A, %swap3A_22] : memref<128x1024xf32, #tpu.memory_space<vmem>>, vector<128x1024xf32>
    tpu.vector_store %arg5[%swap3A, %swap3A_22], %add3A {strides = array<i32>} : memref<128x1024xf32, #tpu.memory_space<vmem>>, vector<128x1024xf32>,
    return
  }
  func.func @transform_0(%arg0: i32) -> (i32, i32) {
    %c0_i32 = arith.constant 0 : i32
    %c0_i32_0 = arith.constant 0 : i32
    return %arg0, %c0_i32 : i32, i32
  }
  func.func @transform_1(%arg0: i32) -> (i32, i32) {
    %add3A = arith.constant 16 : i32
    %add3A_0 = arith.addi %arg0, %add3A : i32
    %c0_i32 = arith.constant 0 : i32
    %c0_i32_1 = arith.constant 0 : i32
    return %add3A_0, %c0_i32 : i32, i32
  }
  func.func @transform_2(%arg0: i32) -> (i32, i32) {
    %c0_i32 = arith.constant 0 : i32
    %c0_i32_0 = arith.constant 0 : i32
    %c0_i32_1 = arith.constant 0 : i32
    return %c0_i32, %c0_i32_0 : i32, i32
  }
  func.func @transform_3(%arg0: i32) -> (i32, i32) {
    %c0_i32 = arith.constant 0 : i32
    %c0_i32_0 = arith.constant 0 : i32
    %c0_i32_1 = arith.constant 0 : i32
    return %c0_i32, %c0_i32_0 : i32, i32
  }
  func.func @transform_4(%arg0: i32) -> (i32, i32) {
    %c0_i32 = arith.constant 0 : i32
    %c0_i32_0 = arith.constant 0 : i32
    return %arg0, %c0_i32 : i32, i32
  }
}

module attributes {stable_mosaic.version = 14 : i64} {
  func.func @_router_body(%arg0: memref<16x128x1024xf32, #tpu.memory_space<vmem>>, %arg1: memref<8x1024xf32, #tpu.memory_space<vmem>>, %arg2: memref<16x128x8xf32, #tpu.memory_space<vmem>>, %arg3: memref<128x16xf32, #tpu.memory_space<vmem>>, %arg4: memref<128x16xf32, #tpu.memory_space<vmem>>, %arg5: memref<32x128xi32, #tpu.memory_space<vmem>>, %arg6: memref<32x4xi32, #tpu.memory_space<vmem>>) attributes {dimension_semantics = [], scalar_prefetch = 0 : i64, scratch_operands = 0 : i64, tpu.core_type = #tpu.core_type<tc>} {
    %get3A = arith.constant 0 : index
    %get3A_0 = arith.constant 0 : index
    %get3A_1 = arith.constant 0 : index
    %get3A_2 = vector.load %arg0[%get3A, %get3A_0, %get3A_1] : memref<16x128x1024xf32, #tpu.memory_space<vmem>>, vector<16x128x1024xf32>
    %get3A_3 = arith.constant 0 : index
    %get3A_4 = arith.constant 0 : index
    %get3A_5 = vector.load %arg1[%get3A_3, %get3A_4] : memref<8x1024xf32, #tpu.memory_space<vmem>>, vector<8x1024xf32>
    %dot_general3A = arith.constant dense<0.000000e+00> : vector<16x128x8xf32>
    %dot_general3A_6 = tpu.matmul %get3A_2, %get3A_5, %dot_general3A {dimension_numbers = #tpu.dot_dimension_numbers<[2], [1], [0, 1], [0], [0, 0, 0, 1, 1, 0], [], []>, transpose_lhs_hint = false} : vector<16x128x1024xf32>, vector<8x1024xf32>, vector<16x128x8xf32> -> vector<16x128x8xf32>
    %swap3A = arith.constant 0 : index
    %swap3A_7 = arith.constant 0 : index
    %swap3A_8 = arith.constant 0 : index
    %swap3A_9 = vector.load %arg2[%swap3A, %swap3A_7, %swap3A_8] : memref<16x128x8xf32, #tpu.memory_space<vmem>>, vector<16x128x8xf32>
    tpu.vector_store %arg2[%swap3A, %swap3A_7, %swap3A_8], %dot_general3A_6 {strides = array<i32>} : memref<16x128x8xf32, #tpu.memory_space<vmem>>, vector<16x128x8xf32>,
    %reduce_max3A = arith.constant dense<0xFF800000> : vector<16x128xf32>
    %reduce_max3A_10 = vector.multi_reduction <maximumf>, %dot_general3A_6, %reduce_max3A [2] : vector<16x128x8xf32> to vector<16x128xf32>
    %broadcast_in_dim3A = vector.shape_cast %reduce_max3A_10 : vector<16x128xf32> to vector<16x128x1xf32>
    %sub3A = vector.broadcast %broadcast_in_dim3A : vector<16x128x1xf32> to vector<16x128x8xf32>
    %sub3A_11 = arith.subf %dot_general3A_6, %sub3A : vector<16x128x8xf32>
    %exp3A = math.exp %sub3A_11 : vector<16x128x8xf32>
    %reduce_sum3A = arith.constant dense<0.000000e+00> : vector<16x128xf32>
    %reduce_sum3A_12 = vector.multi_reduction <add>, %exp3A, %reduce_sum3A [2] : vector<16x128x8xf32> to vector<16x128xf32>
    %broadcast_in_dim3A_13 = vector.shape_cast %reduce_sum3A_12 : vector<16x128xf32> to vector<16x128x1xf32>
    %div3A = vector.broadcast %broadcast_in_dim3A_13 : vector<16x128x1xf32> to vector<16x128x8xf32>
    %div3A_14 = arith.divf %exp3A, %div3A : vector<16x128x8xf32>
    %argmax3A = tpu.reduce_index %div3A_14 {axis = 2 : i32, kind = #tpu.reduction_kind<arg_max>} : vector<16x128x8xf32> -> vector<16x128xi32>
    %iota3A = tpu.iota {dimensions = array<i32: 2>} : vector<16x128x8xi32>
    %reduce_max3A_15 = arith.constant dense<0xFF800000> : vector<16x128xf32>
    %reduce_max3A_16 = vector.multi_reduction <maximumf>, %div3A_14, %reduce_max3A_15 [2] : vector<16x128x8xf32> to vector<16x128xf32>
    %broadcast_in_dim3A_17 = vector.shape_cast %argmax3A : vector<16x128xi32> to vector<16x128x1xi32>
    %eq3A = vector.broadcast %broadcast_in_dim3A_17 : vector<16x128x1xi32> to vector<16x128x8xi32>
    %eq3A_18 = arith.cmpi eq, %iota3A, %eq3A : vector<16x128x8xi32>
    %jit3A = arith.constant -1.000000e+00 : f32
    %broadcast_in_dim3A_19 = vector.broadcast %jit3A : f32 to vector<16x128x8xf32>
    %select_n3A = arith.select %eq3A_18, %broadcast_in_dim3A_19, %div3A_14 : vector<16x128x8xi1>, vector<16x128x8xf32>
    %argmax3A_20 = tpu.reduce_index %select_n3A {axis = 2 : i32, kind = #tpu.reduction_kind<arg_max>} : vector<16x128x8xf32> -> vector<16x128xi32>
    %reduce_max3A_21 = arith.constant dense<0xFF800000> : vector<16x128xf32>
    %reduce_max3A_22 = vector.multi_reduction <maximumf>, %select_n3A, %reduce_max3A_21 [2] : vector<16x128x8xf32> to vector<16x128xf32>
    %add3A = arith.addf %reduce_max3A_16, %reduce_max3A_22 : vector<16x128xf32>
    %div3A_23 = arith.divf %reduce_max3A_16, %add3A : vector<16x128xf32>
    %transpose3A = tpu.transpose %div3A_23, [1, 0] : vector<16x128xf32> -> vector<128x16xf32>
    %swap3A_24 = arith.constant 0 : index
    %swap3A_25 = arith.constant 0 : index
    %swap3A_26 = vector.load %arg3[%swap3A_24, %swap3A_25] : memref<128x16xf32, #tpu.memory_space<vmem>>, vector<128x16xf32>
    tpu.vector_store %arg3[%swap3A_24, %swap3A_25], %transpose3A {strides = array<i32>} : memref<128x16xf32, #tpu.memory_space<vmem>>, vector<128x16xf32>,
    %div3A_27 = arith.divf %reduce_max3A_22, %add3A : vector<16x128xf32>
    %transpose3A_28 = tpu.transpose %div3A_27, [1, 0] : vector<16x128xf32> -> vector<128x16xf32>
    %swap3A_29 = arith.constant 0 : index
    %swap3A_30 = arith.constant 0 : index
    %swap3A_31 = vector.load %arg4[%swap3A_29, %swap3A_30] : memref<128x16xf32, #tpu.memory_space<vmem>>, vector<128x16xf32>
    tpu.vector_store %arg4[%swap3A_29, %swap3A_30], %transpose3A_28 {strides = array<i32>} : memref<128x16xf32, #tpu.memory_space<vmem>>, vector<128x16xf32>,
    %iota3A_32 = tpu.iota {dimensions = array<i32: 1>} : vector<16x8x128xi32>
    %broadcast_in_dim3A_33 = vector.shape_cast %argmax3A : vector<16x128xi32> to vector<16x1x128xi32>
    %eq3A_34 = vector.broadcast %broadcast_in_dim3A_33 : vector<16x1x128xi32> to vector<16x8x128xi32>
    %eq3A_35 = arith.cmpi eq, %iota3A_32, %eq3A_34 : vector<16x8x128xi32>
    %convert_element_type3A = arith.extui %eq3A_35 : vector<16x8x128xi1> to vector<16x8x128xi32>
    %convert_element_type3A_36 = arith.sitofp %convert_element_type3A : vector<16x8x128xi32> to vector<16x8x128xf32>
    %broadcast_in_dim3A_37 = vector.shape_cast %argmax3A_20 : vector<16x128xi32> to vector<16x1x128xi32>
    %eq3A_38 = vector.broadcast %broadcast_in_dim3A_37 : vector<16x1x128xi32> to vector<16x8x128xi32>
    %eq3A_39 = arith.cmpi eq, %iota3A_32, %eq3A_38 : vector<16x8x128xi32>
    %convert_element_type3A_40 = arith.extui %eq3A_39 : vector<16x8x128xi1> to vector<16x8x128xi32>
    %convert_element_type3A_41 = arith.sitofp %convert_element_type3A_40 : vector<16x8x128xi32> to vector<16x8x128xf32>
    %concatenate3A = tpu.concatenate %convert_element_type3A_36, %convert_element_type3A_41 in 0 : vector<16x8x128xf32>, vector<16x8x128xf32> -> vector<32x8x128xf32>
    %iota3A_42 = tpu.iota {dimensions = array<i32: 0>} : vector<128x128xi32>
    %iota3A_43 = tpu.iota {dimensions = array<i32: 1>} : vector<128x128xi32>
    %lt3A = arith.cmpi slt, %iota3A_43, %iota3A_42 : vector<128x128xi32>
    %convert_element_type3A_44 = arith.extui %lt3A : vector<128x128xi1> to vector<128x128xi32>
    %convert_element_type3A_45 = arith.sitofp %convert_element_type3A_44 : vector<128x128xi32> to vector<128x128xf32>
    %dot_general3A_46 = arith.constant dense<0.000000e+00> : vector<32x8x128xf32>
    %dot_general3A_47 = tpu.matmul %concatenate3A, %convert_element_type3A_45, %dot_general3A_46 {dimension_numbers = #tpu.dot_dimension_numbers<[2], [1], [0, 1], [0], [0, 0, 0, 1, 1, 0], [], []>, transpose_lhs_hint = false} : vector<32x8x128xf32>, vector<128x128xf32>, vector<32x8x128xf32> -> vector<32x8x128xf32>
    %reduce_sum3A_48 = arith.constant dense<0.000000e+00> : vector<32x8xf32>
    %reduce_sum3A_49 = vector.multi_reduction <add>, %concatenate3A, %reduce_sum3A_48 [2] : vector<32x8x128xf32> to vector<32x8xf32>
    %iota3A_50 = tpu.iota {dimensions = array<i32: 0>} : vector<32x32xi32>
    %iota3A_51 = tpu.iota {dimensions = array<i32: 1>} : vector<32x32xi32>
    %lt3A_52 = arith.cmpi slt, %iota3A_51, %iota3A_50 : vector<32x32xi32>
    %convert_element_type3A_53 = arith.extui %lt3A_52 : vector<32x32xi1> to vector<32x32xi32>
    %convert_element_type3A_54 = arith.sitofp %convert_element_type3A_53 : vector<32x32xi32> to vector<32x32xf32>
    %dot_general3A_55 = arith.constant dense<0.000000e+00> : vector<32x8xf32>
    %dot_general3A_56 = tpu.matmul %convert_element_type3A_54, %reduce_sum3A_49, %dot_general3A_55 {dimension_numbers = #tpu.dot_dimension_numbers<[1], [0], [0], [1], [0, 0, 1, 1], [], []>, transpose_lhs_hint = false} : vector<32x32xf32>, vector<32x8xf32>, vector<32x8xf32> -> vector<32x8xf32>
    %reduce_sum3A_57 = arith.constant dense<0.000000e+00> : vector<8xf32>
    %reduce_sum3A_58 = vector.multi_reduction <add>, %reduce_sum3A_49, %reduce_sum3A_57 [0] : vector<32x8xf32> to vector<8xf32>
    %broadcast_in_dim3A_59 = vector.shape_cast %reduce_sum3A_58 : vector<8xf32> to vector<1x8xf32>
    %add3A_60 = arith.constant 2.550000e+02 : f32
    %add3A_61 = vector.broadcast %add3A_60 : f32 to vector<1x8xf32>
    %add3A_62 = arith.addf %broadcast_in_dim3A_59, %add3A_61 : vector<1x8xf32>
    %div3A_63 = arith.constant 2.560000e+02 : f32
    %div3A_64 = vector.broadcast %div3A_63 : f32 to vector<1x8xf32>
    %div3A_65 = arith.divf %add3A_62, %div3A_64 : vector<1x8xf32>
    %floor3A = math.floor %div3A_65 : vector<1x8xf32>
    %mul3A = arith.constant 2.560000e+02 : f32
    %mul3A_66 = vector.broadcast %mul3A : f32 to vector<1x8xf32>
    %mul3A_67 = arith.mulf %floor3A, %mul3A_66 : vector<1x8xf32>
    %iota3A_68 = tpu.iota {dimensions = array<i32: 0>} : vector<8x8xi32>
    %iota3A_69 = tpu.iota {dimensions = array<i32: 1>} : vector<8x8xi32>
    %lt3A_70 = arith.cmpi slt, %iota3A_68, %iota3A_69 : vector<8x8xi32>
    %convert_element_type3A_71 = arith.extui %lt3A_70 : vector<8x8xi1> to vector<8x8xi32>
    %convert_element_type3A_72 = arith.sitofp %convert_element_type3A_71 : vector<8x8xi32> to vector<8x8xf32>
    %dot_general3A_73 = arith.constant dense<0.000000e+00> : vector<1x8xf32>
    %dot_general3A_74 = tpu.matmul %mul3A_67, %convert_element_type3A_72, %dot_general3A_73 {dimension_numbers = #tpu.dot_dimension_numbers<[1], [0], [0], [1], [0, 0, 1, 1], [], []>, transpose_lhs_hint = false} : vector<1x8xf32>, vector<8x8xf32>, vector<1x8xf32> -> vector<1x8xf32>
    %broadcast_in_dim3A_75 = vector.shape_cast %dot_general3A_56 : vector<32x8xf32> to vector<32x8x1xf32>
    %add3A_76 = vector.broadcast %broadcast_in_dim3A_75 : vector<32x8x1xf32> to vector<32x8x128xf32>
    %add3A_77 = arith.addf %dot_general3A_47, %add3A_76 : vector<32x8x128xf32>
    %broadcast_in_dim3A_78 = vector.shape_cast %dot_general3A_74 : vector<1x8xf32> to vector<1x8x1xf32>
    %add3A_79 = vector.broadcast %broadcast_in_dim3A_78 : vector<1x8x1xf32> to vector<32x8x128xf32>
    %add3A_80 = arith.addf %add3A_77, %add3A_79 : vector<32x8x128xf32>
    %mul3A_81 = arith.mulf %concatenate3A, %add3A_80 : vector<32x8x128xf32>
    %reduce_sum3A_82 = arith.constant dense<0.000000e+00> : vector<32x128xf32>
    %reduce_sum3A_83 = vector.multi_reduction <add>, %mul3A_81, %reduce_sum3A_82 [1] : vector<32x8x128xf32> to vector<32x128xf32>
    %convert_element_type3A_84 = arith.fptosi %reduce_sum3A_83 : vector<32x128xf32> to vector<32x128xi32>
    %swap3A_85 = arith.constant 0 : index
    %swap3A_86 = arith.constant 0 : index
    %swap3A_87 = vector.load %arg5[%swap3A_85, %swap3A_86] : memref<32x128xi32, #tpu.memory_space<vmem>>, vector<32x128xi32>
    tpu.vector_store %arg5[%swap3A_85, %swap3A_86], %convert_element_type3A_84 {strides = array<i32>} : memref<32x128xi32, #tpu.memory_space<vmem>>, vector<32x128xi32>,
    %iota3A_88 = tpu.iota {dimensions = array<i32: 0>} : vector<32x8xi32>
    %convert_element_type3A_89 = arith.sitofp %iota3A_88 : vector<32x8xi32> to vector<32x8xf32>
    %mul3A_90 = arith.constant 2.560000e+02 : f32
    %mul3A_91 = vector.broadcast %mul3A_90 : f32 to vector<32x8xf32>
    %mul3A_92 = arith.mulf %convert_element_type3A_89, %mul3A_91 : vector<32x8xf32>
    %iota3A_93 = tpu.iota {dimensions = array<i32: 1>} : vector<32x8xi32>
    %convert_element_type3A_94 = arith.sitofp %iota3A_93 : vector<32x8xi32> to vector<32x8xf32>
    %ge3A = vector.broadcast %dot_general3A_74 : vector<1x8xf32> to vector<32x8xf32>
    %ge3A_95 = arith.cmpf oge, %mul3A_92, %ge3A : vector<32x8xf32>
    %add3A_96 = arith.addf %dot_general3A_74, %mul3A_67 : vector<1x8xf32>
    %lt3A_97 = vector.broadcast %add3A_96 : vector<1x8xf32> to vector<32x8xf32>
    %lt3A_98 = arith.cmpf olt, %mul3A_92, %lt3A_97 : vector<32x8xf32>
    %and3A = arith.andi %ge3A_95, %lt3A_98 : vector<32x8xi1>
    %jit3A_99 = arith.constant 0.000000e+00 : f32
    %broadcast_in_dim3A_100 = vector.broadcast %jit3A_99 : f32 to vector<32x8xf32>
    %select_n3A_101 = arith.select %and3A, %convert_element_type3A_94, %broadcast_in_dim3A_100 : vector<32x8xi1>, vector<32x8xf32>
    %reduce_sum3A_102 = arith.constant dense<0.000000e+00> : vector<32xf32>
    %reduce_sum3A_103 = vector.multi_reduction <add>, %select_n3A_101, %reduce_sum3A_102 [1] : vector<32x8xf32> to vector<32xf32>
    %broadcast_in_dim3A_104 = vector.shape_cast %reduce_sum3A_103 : vector<32xf32> to vector<32x1xf32>
    %reduce_sum3A_105 = vector.shape_cast %mul3A_67 : vector<1x8xf32> to vector<1x1x8xf32>
    %reduce_sum3A_106 = arith.constant dense<0.000000e+00> : vector<1xf32>
    %reduce_sum3A_107 = vector.multi_reduction <add>, %reduce_sum3A_105, %reduce_sum3A_106 [1, 2] : vector<1x1x8xf32> to vector<1xf32>
    %reduce_sum3A_108 = vector.shape_cast %reduce_sum3A_107 : vector<1xf32> to vector<1x1x1xf32>
    %reduce_sum3A_109 = vector.extract %reduce_sum3A_108[0, 0, 0] : f32 from vector<1x1x1xf32>
    %div3A_110 = arith.constant 2.560000e+02 : f32
    %div3A_111 = arith.divf %reduce_sum3A_109, %div3A_110 : f32
    %gt3A = arith.constant 0.000000e+00 : f32
    %gt3A_112 = vector.broadcast %gt3A : f32 to vector<1x8xf32>
    %gt3A_113 = arith.cmpf ogt, %mul3A_67, %gt3A_112 : vector<1x8xf32>
    %iota3A_114 = tpu.iota {dimensions = array<i32: 1>} : vector<1x8xi32>
    %convert_element_type3A_115 = arith.sitofp %iota3A_114 : vector<1x8xi32> to vector<1x8xf32>
    %jit3A_116 = arith.constant 0.000000e+00 : f32
    %broadcast_in_dim3A_117 = vector.broadcast %jit3A_116 : f32 to vector<1x8xf32>
    %select_n3A_118 = arith.select %gt3A_113, %convert_element_type3A_115, %broadcast_in_dim3A_117 : vector<1x8xi1>, vector<1x8xf32>
    %reduce_max3A_119 = vector.shape_cast %select_n3A_118 : vector<1x8xf32> to vector<1x1x8xf32>
    %reduce_max3A_120 = arith.constant dense<0xFF800000> : vector<1xf32>
    %reduce_max3A_121 = vector.multi_reduction <maximumf>, %reduce_max3A_119, %reduce_max3A_120 [1, 2] : vector<1x1x8xf32> to vector<1xf32>
    %reduce_max3A_122 = vector.shape_cast %reduce_max3A_121 : vector<1xf32> to vector<1x1x1xf32>
    %reduce_max3A_123 = vector.extract %reduce_max3A_122[0, 0, 0] : f32 from vector<1x1x1xf32>
    %iota3A_124 = tpu.iota {dimensions = array<i32: 0>} : vector<32x1xi32>
    %convert_element_type3A_125 = arith.sitofp %iota3A_124 : vector<32x1xi32> to vector<32x1xf32>
    %lt3A_126 = vector.broadcast %div3A_111 : f32 to vector<32x1xf32>
    %lt3A_127 = arith.cmpf olt, %convert_element_type3A_125, %lt3A_126 : vector<32x1xf32>
    %broadcast_in_dim3A_128 = vector.broadcast %reduce_max3A_123 : f32 to vector<32x1xf32>
    %select_n3A_129 = arith.select %lt3A_127, %broadcast_in_dim3A_104, %broadcast_in_dim3A_128 : vector<32x1xi1>, vector<32x1xf32>
    %sub3A_130 = arith.constant 1.000000e+00 : f32
    %sub3A_131 = arith.subf %div3A_111, %sub3A_130 : f32
    %broadcast_in_dim3A_132 = vector.broadcast %sub3A_131 : f32 to vector<32x1xf32>
    %select_n3A_133 = arith.select %lt3A_127, %convert_element_type3A_125, %broadcast_in_dim3A_132 : vector<32x1xi1>, vector<32x1xf32>
    %convert_element_type3A_134 = arith.extui %lt3A_127 : vector<32x1xi1> to vector<32x1xi32>
    %convert_element_type3A_135 = arith.sitofp %convert_element_type3A_134 : vector<32x1xi32> to vector<32x1xf32>
    %broadcast_in_dim3A_136 = arith.constant 0.000000e+00 : f32
    %broadcast_in_dim3A_137 = vector.broadcast %broadcast_in_dim3A_136 : f32 to vector<32x1xf32>
    %concatenate3A_138 = tpu.concatenate %select_n3A_129, %convert_element_type3A_135, %select_n3A_133, %broadcast_in_dim3A_137 in 1 : vector<32x1xf32>, vector<32x1xf32>, vector<32x1xf32>, vector<32x1xf32> -> vector<32x4xf32>
    %convert_element_type3A_139 = arith.fptosi %concatenate3A_138 : vector<32x4xf32> to vector<32x4xi32>
    %swap3A_140 = arith.constant 0 : index
    %swap3A_141 = arith.constant 0 : index
    %swap3A_142 = vector.load %arg6[%swap3A_140, %swap3A_141] : memref<32x4xi32, #tpu.memory_space<vmem>>, vector<32x4xi32>
    tpu.vector_store %arg6[%swap3A_140, %swap3A_141], %convert_element_type3A_139 {strides = array<i32>} : memref<32x4xi32, #tpu.memory_space<vmem>>, vector<32x4xi32>,
    return
  }
}

</mosaic_0001>

<sc_bundles>
// kernel: kernel.10.cloned.1.call-start
scs
__scs_entry_jumppad:
0x0: {  	(pc) =	sbr.rel $0x88, $3  }
0x1: {  	(tag) =	ssettag $0x0;
	lr =	simm.s32 $0x1  }
0x2: {  	[smem:$0x3F9C] =	sst lr;
	_ =	strace $0xD0000000  }
0x3: {  	_ = 	snop  }
0x4: {  	_ = 	snop  }
0x5: {  	_ = 	snop  }
0x6: {  	_ = 	snop  }
0x7: {  	_ = 	snop  }
__scs_overlays_trampoline_lowered:
0x8: {  	[smem:$0x3FAB] =	sst s0  }
0x9: {  	[smem:$0x3FAC] =	sst s1  }
0xa: {  	[smem:$0x3FAD] =	sst s2  }
0xb: {  	[smem:$0x3FAE] =	sst s3  }
0xc: {  	[smem:$0x3FAF] =	sst s4  }
0xd: {  	[smem:$0x3FB0] =	sst s5  }
0xe: {  	[smem:$0x3FB1] =	sst s6  }
0xf: {  	[smem:$0x3FB2] =	sst s7  }
0x10: {  	[smem:$0x3FB3] =	sst s8  }
0x11: {  	[smem:$0x3FB4] =	sst s9;
	s0 =	simm.s32 @!p0 $0x0  }
0x12: {  	s1 =	sld [smem:$0x3F9A];
	s0 =	simm.s32 @p0 $0x1  }
0x13: {  	[smem:$0x3FB5] =	sst s0;
	s0 =	simm.s32 @!p1 $0x0  }
0x14: {  	s2 =	sld [smem:$0x3F99];
	s0 =	simm.s32 @p1 $0x1  }
0x15: {  	[smem:$0x3FB6] =	sst s0;
	s0 =	simm.s32 @!p2 $0x0  }
0x16: {  	s3 =	sld [smem:$0x3FDB];
	s0 =	simm.s32 @p2 $0x1  }
0x17: {  	s4 =	simm.s32 $0x1BF5;
	[smem:$0x3FB8] =	sst s0  }
0x18: {  	s0 =	sld [smem:$0x3F9B];
	_ =	swait.ge [sflag:s4], $0x0  }
0x19: {  	s7 =	sld [smem:$0x3F9C]  }
0x1a: {  	s8 =	sadd.s32 $0xFFFFE003, lr  }
0x1b: {  	s9 =	sadd.s32 $0xFFFFFEF7, lr;
	s5 =	simm.s32 $0xFFFFFFFF;
	p2 =	slt.u32 s8, $0xFFFFF086  }
0x1c: {  	p1 =	slt.u32 s9, $0xF7A;
	s5 =	simm.s32 @!p2 $0x0  }
0x1d: {  	s5 =	simm.s32 @p1 $0x1;
	p0 =	seq.s32 s7, s2  }
0x1e: {  	s7 =	smul.u32 @!p0 $0xF7A, s2;
	p2 =	seq.s32 @!p0 s5, $0x0  }
0x1f: {  	s9 =	smul.u32 $0xF7A, s1;
	s8 =	simm.s32 @!p0 $0x1BF5;
	p2 =	por !p2, p0  }
0x20: {  	[sflag:s8] =	ssyncset.s32 @!p0 $0xFFFFF086;
	s6 =	sadd.s32 @!p0 s3, s7;
	s7 =	simm.s32 @!p0 $0x108  }
0x21: {  	s3 =	sadd.s32 s3, s9;
	s6 =	sadd.s32 @!p0 $0x88, s6;
	s7 =	simm.s32 @p2 $0x1082  }
0x22: {  	[simem:s7], [sflag:s8] =	dma.local @!p0 [hbm:s6], $0xF7A  }
0x23: {  	s9 =	sor.u32 $0xD0000000, s2;
	s6 =	simm.s32 $0x108;
	_ =	swait.ge @!p0 [sflag:s8], $0x0  }
0x24: {  	s3 =	sadd.s32 $0x88, s3;
	s6 =	simm.s32 @!p1 $0x1082;
	[sflag:s4] =	ssyncset.s32 $0xFFFFF086  }
0x25: {  	[simem:s6], [sflag:s4] =	dma.local [hbm:s3], $0xF7A  }
0x26: {  	[smem:$0x3F9C] =	sst s1;
	(tag) =	ssettag s2;
	_ =	strace s9  }
0x27: {  	s1 =	sld [smem:$0x3FAC]  }
0x28: {  	s2 =	sld [smem:$0x3FAD]  }
0x29: {  	s4 =	sld [smem:$0x3FAF]  }
0x2a: {  	p0 =	seq.s32 s5, $0x0;
	s5 =	sld [smem:$0x3FB0]  }
0x2b: {  	s6 =	sld [smem:$0x3FB1]  }
0x2c: {  	s7 =	sld [smem:$0x3FB2]  }
0x2d: {  	s3 =	simm.s32 $0x108;
	s8 =	sld [smem:$0x3FB3]  }
0x2e: {  	s3 =	simm.s32 @!p0 $0x1082;
	s9 =	sld [smem:$0x3FB4]  }
0x2f: {  	lr =	sadd.s32 s0, s3;
	s0 =	sld [smem:$0x3FAB]  }
0x30: {  	s3 =	sld [smem:$0x3FAE]  }
0x31: {  	[smem:$0x3FB7] =	sst s10  }
0x32: {  	s10 =	sld [smem:$0x3FB5];
	_ =	sdelay $0x3  }
0x33: {  	p0 =	seq.s32 s10, $0x1;
	s10 =	sld [smem:$0x3FB7];
	_ =	sdelay $0x3  }
0x34: {  	[smem:$0x3FB7] =	sst s10  }
0x35: {  	s10 =	sld [smem:$0x3FB6];
	_ =	sdelay $0x3  }
0x36: {  	p1 =	seq.s32 s10, $0x1;
	s10 =	sld [smem:$0x3FB7];
	_ =	sdelay $0x3  }
0x37: {  	[smem:$0x3FB7] =	sst s10  }
0x38: {  	s10 =	sld [smem:$0x3FB8]  }
0x39: {  	_ = 	snop;
	(pc) =	sbr.ind lr, $3  }
0x3a: {  	_ = 	snop  }
0x3b: {  	_ = 	snop  }
0x3c: {  	p2 =	seq.s32 s10, $0x1;
	s10 =	sld [smem:$0x3FB7]  }
0x3d: {  	_ =	shalt  }
0x3e: {  	_ =	shalt  }
0x3f: {  	_ =	shalt  }
0x40: {  	_ =	shalt  }
0x41: {  	_ =	shalt  }
0x42: {  	_ =	shalt  }
0x43: {  	_ =	shalt  }
0x44: {  	_ =	shalt  }
0x45: {  	_ =	shalt  }
0x46: {  	_ =	shalt  }
0x47: {  	_ =	shalt  }
0x48: {  	_ =	shalt  }
0x49: {  	_ =	shalt  }
0x4a: {  	_ =	shalt  }
0x4b: {  	_ =	shalt  }
0x4c: {  	_ =	shalt  }
0x4d: {  	_ =	shalt  }
0x4e: {  	_ =	shalt  }
0x4f: {  	_ =	shalt  }
0x50: {  	_ =	shalt  }
0x51: {  	_ =	shalt  }
0x52: {  	_ =	shalt  }
0x53: {  	_ =	shalt  }
0x54: {  	_ =	shalt  }
0x55: {  	_ =	shalt  }
0x56: {  	_ =	shalt  }
0x57: {  	_ =	shalt  }
0x58: {  	_ =	shalt  }
0x59: {  	_ =	shalt  }
0x5a: {  	_ =	shalt  }
0x5b: {  	_ =	shalt  }
0x5c: {  	_ =	shalt  }
0x5d: {  	_ =	shalt  }
0x5e: {  	_ =	shalt  }
0x5f: {  	_ =	shalt  }
0x60: {  	_ =	shalt  }
0x61: {  	_ =	shalt  }
0x62: {  	_ =	shalt  }
0x63: {  	_ =	shalt  }
0x64: {  	_ =	shalt  }
0x65: {  	_ =	shalt  }
0x66: {  	_ =	shalt  }
0x67: {  	_ =	shalt  }
0x68: {  	_ =	shalt  }
0x69: {  	_ =	shalt  }
0x6a: {  	_ =	shalt  }
0x6b: {  	_ =	shalt  }
0x6c: {  	_ =	shalt  }
0x6d: {  	_ =	shalt  }
0x6e: {  	_ =	shalt  }
0x6f: {  	_ =	shalt  }
0x70: {  	_ =	shalt  }
0x71: {  	_ =	shalt  }
0x72: {  	_ =	shalt  }
0x73: {  	_ =	shalt  }
0x74: {  	_ =	shalt  }
0x75: {  	_ =	shalt  }
0x76: {  	_ =	shalt  }
0x77: {  	_ =	shalt  }
0x78: {  	_ =	shalt  }
0x79: {  	_ =	shalt  }
0x7a: {  	_ =	shalt  }
0x7b: {  	_ =	shalt  }
0x7c: {  	_ =	shalt  }
0x7d: {  	_ =	shalt  }
0x7e: {  	_ =	shalt  }
0x7f: {  	_ =	shalt  }
0x80: {  	_ =	shalt  }
0x81: {  	_ =	shalt  }
0x82: {  	_ =	shalt  }
0x83: {  	_ =	shalt  }
0x84: {  	_ =	shalt  }
0x85: {  	_ =	shalt  }
0x86: {  	_ =	shalt  }
0x87: {  	_ =	shalt  }
.Lfunc_end0:
.L_simem_size_0:
called_computation.1_lowered:
.L_overlay_start_0:
0x88: {  	s2 =	sld [smem:$0x3FD9]  }
0x89: {  	s3 =	sld [smem:$0x3FFE];
	_ =	sdelay $0x1  }
0x8a: {  	s1 =	srdreg.scid  }
0x8b: {  	s0 =	sand.u32 $0x1, s1  }
0x8c: {  	s16 =	sshll.u32 s0, $0xA;
	s2 =	sadd.s32 s3, s2  }
0x8d: {  	s2 =	sadd.s32 s2, s16  }
0x8e: {  	[smem:$0x3FC3] =	sst s2  }
0x8f: {  	_ = 	snop  }
0x90: {  	(tm) =	ssettm $0x1  }
0x91: {  	s17 =	sld [smem:$0x3FFB];
	_ =	sdelay $0x3  }
0x92: {  	_ =	strace s17  }
0x93: {  	s2 =	sld [smem:$0x3FFC];
	_ =	sdelay $0x3  }
0x94: {  	_ =	strace s2  }
0x95: {  	s2 =	sld [smem:$0x3FFD];
	_ =	sdelay $0x3  }
0x96: {  	_ =	strace s2  }
0x97: {  	_ =	strace $0x8FFFFFFF  }
0x98: {  	s18 =	sld [smem:$0x3FDB];
	_ =	sdelay $0x1  }
0x99: {  	s19 =	simm.s32 $_scs_section_size  }
0x9a: {  	s4 =	simm.s32 $_size__tile_overlayer_lowered;
	s5 =	simm.s32 $_tile_overlayer_lowered  }
0x9b: {  	s22 =	simm.s32 $0x1BFF;
	s21 =	sshll.u32 s5, $0x1;
	s2 =	sadd.s32 s19, s18  }
0x9c: {  	s6 =	simm.s32 $0x0;
	s20 =	sshll.u32 s4, $0x1;
	s4 =	sadd.s32 s21, s2  }
0x9d: {  	[timem:s6], [sflag:s22] =	dma.local [hbm:s4], s20  }
0x9e: {  	_ =	swait.ge [sflag:s22], s20  }
0x9f: {  	s3 =	ssub.s32 $0x0, s20;
	[sflag:s22] =	ssyncset.done $0x0  }
0xa0: {  	[sflag:s22] =	ssyncadd.s32 s3;
	_ =	sdelay $0x1  }
0xa1: {  	s23 =	simm.s32 $0x1B8B  }
0xa2: {  	_ =	swait.ge [sflag:s23], $0x1  }
0xa3: {  	[sflag:s23] =	ssyncset.done $0x0  }
0xa4: {  	s25 =	simm.s32 $0x1B8E;
	s24 =	sld [smem:$0x3FFE];
	[sflag:s23] =	ssyncadd.s32 $0xFFFFFFFF  }
0xa5: {  	s26 =	simm.s32 $execute0_lowered;
	[smem:$0x3FD2] =	sst s25  }
0xa6: {  	s4 =	sshll.u32 s26, $0x1;
	_ =	strace $0x80000049;
	[dreg:$0x1] =	wrdreg $0xFFFFFFFF  }
0xa7: {  	s28 =	simm.s32 $_size_execute0_lowered;
	s2 =	sadd.s32 s2, s4;
	[dreg:$0x0] =	wrdreg $0x0  }
0xa8: {  	s4 =	sshll.u32 s28, $0x1;
	[dreg:$0x2] =	wrdreg s2  }
0xa9: {  	[dreg:$0x3] =	wrdreg s4  }
0xaa: {  	[dreg:$0x4] =	wrdreg $0xC0  }
0xab: {  	_ =	task [dreg:s6], $0x5FFFF  }
0xac: {  	[dreg:$0x1] =	wrdreg $0xFFFFFFFF  }
0xad: {  	[dreg:$0x0] =	wrdreg $0x60  }
0xae: {  	[dreg:$0x2] =	wrdreg s24  }
0xaf: {  	[dreg:$0x3] =	wrdreg $0x9  }
0xb0: {  	_ =	task.clear_ibuf [dreg:s6], $0x4FFFF;
	_ =	strace $0x90000049  }
0xb1: {  	s29 =	simm.s32 $0x9;
	_ =	strace $0x8000004B  }
0xb2: {  	_ =	swait.ge [sflag:s29], $0x1  }
0xb3: {  	[sflag:s29] =	ssyncadd.s32 $0xFFFFFFFF  }
0xb4: {  	_ =	strace $0x9000004B  }
0xb5: {  	_ =	sfence  }
0xb6: {  	s30 =	sld [smem:$0x0];
	_ =	sdelay $0x2  }
0xb7: {  	s31 =	sshll.u32 s1, $0xD;
	s1 =	sshrl.u32 s1, $0x2  }
0xb8: {  	s3 =	sand.u32 $0x4000, s31;
	s1 =	sadd.s32 s1, s30  }
0xb9: {  	s0 =	sor.u32 s3, s0;
	s1 =	sshll.u32 s1, $0x11  }
0xba: {  	s0 =	sor.u32 s1, s0  }
0xbb: {  	s0 =	sadd.s32 $0x8F2B, s0  }
0xbc: {  	[sflag:s0] =	ssyncadd.remote.s32 $0x1  }
0xbd: {  	_ =	sfence.sel $0xFFFF  }
0xbe: {  	[dreg:$0x0] =	wrdreg $0xFFFFFFFF;
	(pc) =	sbr.abs _section_cstart, $3  }
0xbf: {  	[dreg:$0x1] =	wrdreg $0xFFFFFFFF  }
0xc0: {  	_ =	task.clear_ibuf [dreg:s6], $0x2FFFF;
	_ =	strace $0x9FFFFFFF  }
0xc1: {  	(tm) =	ssettm $0x7FFFFFFF  }
tec
execute0_lowered:
.L_overlay_start_1:
0x0: {  	(tag) =	ssettag $0x1  }
0x1: {  	s7 =	rddreg [dreg:$0x0];
	s1 =	simm.s32 $0x0  }
0x2: {  	s4 =	srdreg.scid;
	s2 =	stileid.u32;
	s11 =	simm.s32 $0x80  }
0x3: {  	s12 =	simm.s32 $0x880;
	s13 =	simm.s32 $0x1080;
	s14 =	simm.s32 $0x1880  }
0x4: {  	s15 =	simm.s32 $0x2080;
	s16 =	simm.s32 $0x2880;
	s17 =	simm.s32 $0x3080  }
0x5: {  	s18 =	simm.s32 $0x3880;
	s19 =	simm.s32 $0x4080;
	s20 =	simm.s32 $0x4880  }
0x6: {  	s21 =	simm.s32 $0x5080;
	s22 =	simm.s32 $0x5880;
	s23 =	simm.s32 $0x6080  }
0x7: {  	s24 =	simm.s32 $0x6880;
	s25 =	simm.s32 $0x7080;
	s28 =	simm.s32 $0x1  }
0x8: {  	s29 =	simm.s32 $0x0;
	[smem:$0x7FF] =	sst s1;
	s3 =	sadd.s32 $0xC3200, s7  }
0x9: {  	s6 =	sand.u32 $0x1, s4;
	s26 =	sshll.u32 s2, $0x5;
	s30 =	sshll.u32 s2, $0xF  }
0xa: {  	_ =	strace $0x8000004A;
	s5 =	sshll.u32 s6, $0x4;
	s8 =	ssub.s32 $0x2, s6  }
0xb: {  	s10 =	sadd.s32 s30, s7;
	s31 =	sshll.u32 s6, $0xE;
	s6 =	sadd.s32 $0xC3400, s7  }
0xc: {  	s4 =	sor.u32 s5, s26;
	s9 =	sshrl.u32 s8, $0x1;
	s5 =	sadd.s32 $0xC3300, s7  }
0xd: {  	v2 =	vlaneseq.u32;
	s26 =	simm.s32 $0x7880;
	s4 =	sadd.s32 s4, s7;
	s8 =	ssub.s32 s8, s9  }
0xe: {  	vm0 =	vmmov $0xffff;
	v1 =	vshrl.u32 v2, $0x3;
	s7 =	sadd.s32 $0xC3500, s7;
	s9 =	sadd.s32 s31, s10;
	s10 =	simm.s32 $0x2  }
0xf: {  	v0 =	vand.u32 $0x7, v2;
	v2 =	vor.u32 $0x8, v2;
	v1 =	vmul.u32 $0x8, v1;
	s4 =	sadd.s32 $0x2000, s4;
	s8 =	smax.u32 s8, $0x1;
	s9 =	sadd.s32 $0x3200, s9  }
.LBB2_1:
0x10: {  	[tilespmem:s1], [sflag:$0x2] =	stream.linear.gather [hbm4b:s4+s1], $0x80, $0x38;
	[tilespmem:$0x8080] =	vst v63  }
0x11: {  	_ =	swait.ge [sflag:s10], $0x80  }
0x12: {  	[sflag:s10] =	ssyncset.done $0x0  }
0x13: {  	s30 =	smov.u32 s9;
	s31 =	simm.s32 $0x0;
	[sflag:s10] =	ssyncadd.s32 $0xFFFFFF80  }
.LBB2_2:
0x14: {  	s0 =	sshra.s32 s31, $0x2  }
0x15: {  	v3 =	vld [tilespmem:s0+$0x0];
	_ =	sdelay $0x4  }
0x16: {  	v4 =	vshll.u32 v3, $0x3  }
0x17: {  	v3 =	vand.u32 $0x7, v3;
	v4 =	vand.u32 $0xFFFFFFC0, v4  }
0x18: {  	v3 =	vor.u32 v3, v4  }
0x19: {  	v4 =	vperm.xlane v3, v0;
	_ =	sdelay $0x1  }
0x1a: {  	v4 =	vadd.s32 v1, v4;
	_ =	sdelay $0x4  }
0x1b: {  	[tilespmem:s11], [sflag:$0x1] =	stream.indirect_vreg.gather [hbm4b:s3+s1], $0x80, v4, vm0, $0xb8;
	[tilespmem:$0x8080] =	vst v63  }
0x1c: {  	v3 =	vperm.xlane v3, v2  }
0x1d: {  	[tilespmem:s12], [sflag:$0x1] =	stream.indirect_vreg.gather [hbm4b:s5+s1], $0x80, v4, vm0, $0xb8;
	[tilespmem:$0x8080] =	vst v63  }
0x1e: {  	v3 =	vadd.s32 v1, v3  }
0x1f: {  	[tilespmem:s13], [sflag:$0x1] =	stream.indirect_vreg.gather [hbm4b:s6+s1], $0x80, v4, vm0, $0xb8;
	[tilespmem:$0x8080] =	vst v63  }
0x20: {  	_ = 	snop  }
0x21: {  	[tilespmem:s14], [sflag:$0x1] =	stream.indirect_vreg.gather [hbm4b:s7+s1], $0x80, v4, vm0, $0xb8;
	[tilespmem:$0x8080] =	vst v63  }
0x22: {  	_ = 	snop  }
0x23: {  	[tilespmem:s15], [sflag:$0x1] =	stream.indirect_vreg.gather [hbm4b:s3+s1], $0x80, v3, vm0, $0xb8;
	[tilespmem:$0x8080] =	vst v63  }
0x24: {  	_ = 	snop  }
0x25: {  	[tilespmem:s16], [sflag:$0x1] =	stream.indirect_vreg.gather [hbm4b:s5+s1], $0x80, v3, vm0, $0xb8;
	[tilespmem:$0x8080] =	vst v63  }
0x26: {  	_ = 	snop  }
0x27: {  	[tilespmem:s17], [sflag:$0x1] =	stream.indirect_vreg.gather [hbm4b:s6+s1], $0x80, v3, vm0, $0xb8;
	[tilespmem:$0x8080] =	vst v63  }
0x28: {  	_ = 	snop  }
0x29: {  	[tilespmem:s18], [sflag:$0x1] =	stream.indirect_vreg.gather [hbm4b:s7+s1], $0x80, v3, vm0, $0xb8;
	[tilespmem:$0x8080] =	vst v63  }
0x2a: {  	v3 =	vld [tilespmem:s0+$0x10];
	_ =	sdelay $0x4  }
0x2b: {  	v63 =	vshll.u32 v3, $0x3  }
0x2c: {  	v3 =	vand.u32 $0x7, v3;
	v4 =	vand.u32 $0xFFFFFFC0, v63  }
0x2d: {  	v3 =	vor.u32 v3, v4  }
0x2e: {  	v4 =	vperm.xlane v3, v0;
	_ =	sdelay $0x1  }
0x2f: {  	v4 =	vadd.s32 v1, v4;
	_ =	sdelay $0x4  }
0x30: {  	[tilespmem:s19], [sflag:$0x1] =	stream.indirect_vreg.gather [hbm4b:s3+s1], $0x80, v4, vm0, $0xb8;
	[tilespmem:$0x8080] =	vst v63  }
0x31: {  	v3 =	vperm.xlane v3, v2  }
0x32: {  	[tilespmem:s20], [sflag:$0x1] =	stream.indirect_vreg.gather [hbm4b:s5+s1], $0x80, v4, vm0, $0xb8;
	[tilespmem:$0x8080] =	vst v63  }
0x33: {  	v3 =	vadd.s32 v1, v3  }
0x34: {  	[tilespmem:s21], [sflag:$0x1] =	stream.indirect_vreg.gather [hbm4b:s6+s1], $0x80, v4, vm0, $0xb8;
	[tilespmem:$0x8080] =	vst v63  }
0x35: {  	_ = 	snop  }
0x36: {  	[tilespmem:s22], [sflag:$0x1] =	stream.indirect_vreg.gather [hbm4b:s7+s1], $0x80, v4, vm0, $0xb8;
	[tilespmem:$0x8080] =	vst v63  }
0x37: {  	_ = 	snop  }
0x38: {  	[tilespmem:s23], [sflag:$0x1] =	stream.indirect_vreg.gather [hbm4b:s3+s1], $0x80, v3, vm0, $0xb8;
	[tilespmem:$0x8080] =	vst v63  }
0x39: {  	_ = 	snop  }
0x3a: {  	[tilespmem:s24], [sflag:$0x1] =	stream.indirect_vreg.gather [hbm4b:s5+s1], $0x80, v3, vm0, $0xb8;
	[tilespmem:$0x8080] =	vst v63  }
0x3b: {  	_ = 	snop  }
0x3c: {  	[tilespmem:s25], [sflag:$0x1] =	stream.indirect_vreg.gather [hbm4b:s6+s1], $0x80, v3, vm0, $0xb8;
	[tilespmem:$0x8080] =	vst v63  }
0x3d: {  	_ = 	snop  }
0x3e: {  	[tilespmem:s26], [sflag:$0x1] =	stream.indirect_vreg.gather [hbm4b:s7+s1], $0x80, v3, vm0, $0xb8;
	[tilespmem:$0x8080] =	vst v63  }
0x3f: {  	_ =	swait.ge [sflag:s28], $0x8000  }
0x40: {  	p0 =	sne.s32 s31, $0x180;
	[sflag:s28] =	ssyncset.done $0x0  }
.Ltmp0:
0x41: {  	[sflag:s28] =	ssyncadd.s32 $0xFFFF8000;
	(pc) =	sbr.rel @p0 .LBB2_2-.Ltmp0, $4  }
0x42: {  	[hbm4b:s30+s1] =	stream.linear.scatter [tilespmem:s11], [sflag:$0x2], $0x8000, $0x38;
	[tilespmem:$0x8080] =	vst v63  }
0x43: {  	_ =	swait.ge [sflag:s10], $0x8000  }
0x44: {  	[sflag:s10] =	ssyncset.done $0x0  }
0x45: {  	s31 =	sadd.s32 $0x80, s31;
	s30 =	sadd.s32 $0x1000, s30;
	[sflag:s10] =	ssyncadd.s32 $0xFFFF8000  }
0x46: {  	s29 =	sadd.s32 $0x1, s29  }
0x47: {  	p0 =	sne.s32 s29, s8  }
.Ltmp1:
0x48: {  	_ = 	snop;
	(pc) =	sbr.rel @p0 .LBB2_1-.Ltmp1, $1  }
0x49: {  	_ =	sdelay $0x3  }
0x4a: {  	_ =	sfence.sel $0x180000  }
0x4b: {  	[bflag:$0x0] =	sbarrier.arrive $0xFFFF  }
0x4c: {  	_ =	strace $0x9000004A  }
0x4d: {  	[bflag:$0x2] =	sbarrier.arrive $0xFFFF  }
0x4e: {  	p0 =	sne.s32 s2, $0x0;
	s0 =	rddreg [dreg:$0x1]  }
0x4f: {  	s0 =	sadd.s32 @!p0 $0x100000, s0  }
0x50: {  	[sflag:s0] =	ssyncadd.tile.s32 @!p0 $0x1;
	_ =	shalt  }
.Lfunc_end2:
_tile_overlayer_lowered:
.L_overlay_start_2:
0x51: {  	(tag) =	ssettag $0x2  }
0x52: {  	s0 =	rddreg [dreg:$0x0];
	s2 =	stileid.u32  }
0x53: {  	s1 =	rddreg [dreg:$0x1];
	p0 =	sne.s32 s2, $0x0  }
0x54: {  	s3 =	rddreg [dreg:$0x2];
	[bflag:$0x3] =	sbarrier.arrive $0xFFFF;
	s2 =	simm.s32 @!p0 $0x1C02  }
0x55: {  	[timem:s3], [sflag:s2] =	dma.local @!p0 [hbm:s0], s1  }
0x56: {  	s0 =	simm.s32 @!p0 $0x2  }
0x57: {  	_ =	swait.ge @!p0 [sflag:s0], s1  }
0x58: {  	s1 =	ssub.s32 @!p0 $0x0, s1;
	[sflag:s0] =	ssyncset.done @!p0 $0x0  }
0x59: {  	[sflag:s0] =	ssyncadd.s32 @!p0 s1  }
0x5a: {  	[bflag:$0x3] =	sbarrier.arrive $0xFFFF  }
0x5b: {  	_ =	shalt  }

// kernel: kernel.7.cloned.1.call-start
scs
__scs_entry_jumppad:
0x0: {  	(pc) =	sbr.rel $0x88, $3  }
0x1: {  	(tag) =	ssettag $0x0;
	lr =	simm.s32 $0x1  }
0x2: {  	[smem:$0x3F9C] =	sst lr;
	_ =	strace $0xD0000000  }
0x3: {  	_ = 	snop  }
0x4: {  	_ = 	snop  }
0x5: {  	_ = 	snop  }
0x6: {  	_ = 	snop  }
0x7: {  	_ = 	snop  }
__scs_overlays_trampoline_lowered:
0x8: {  	[smem:$0x3FAB] =	sst s0  }
0x9: {  	[smem:$0x3FAC] =	sst s1  }
0xa: {  	[smem:$0x3FAD] =	sst s2  }
0xb: {  	[smem:$0x3FAE] =	sst s3  }
0xc: {  	[smem:$0x3FAF] =	sst s4  }
0xd: {  	[smem:$0x3FB0] =	sst s5  }
0xe: {  	[smem:$0x3FB1] =	sst s6  }
0xf: {  	[smem:$0x3FB2] =	sst s7  }
0x10: {  	[smem:$0x3FB3] =	sst s8  }
0x11: {  	[smem:$0x3FB4] =	sst s9;
	s0 =	simm.s32 @!p0 $0x0  }
0x12: {  	s1 =	sld [smem:$0x3F9A];
	s0 =	simm.s32 @p0 $0x1  }
0x13: {  	[smem:$0x3FB5] =	sst s0;
	s0 =	simm.s32 @!p1 $0x0  }
0x14: {  	s2 =	sld [smem:$0x3F99];
	s0 =	simm.s32 @p1 $0x1  }
0x15: {  	[smem:$0x3FB6] =	sst s0;
	s0 =	simm.s32 @!p2 $0x0  }
0x16: {  	s3 =	sld [smem:$0x3FDB];
	s0 =	simm.s32 @p2 $0x1  }
0x17: {  	s4 =	simm.s32 $0x1BF5;
	[smem:$0x3FB8] =	sst s0  }
0x18: {  	s0 =	sld [smem:$0x3F9B];
	_ =	swait.ge [sflag:s4], $0x0  }
0x19: {  	s7 =	sld [smem:$0x3F9C]  }
0x1a: {  	s8 =	sadd.s32 $0xFFFFE003, lr  }
0x1b: {  	s9 =	sadd.s32 $0xFFFFFEF7, lr;
	s5 =	simm.s32 $0xFFFFFFFF;
	p2 =	slt.u32 s8, $0xFFFFF086  }
0x1c: {  	p1 =	slt.u32 s9, $0xF7A;
	s5 =	simm.s32 @!p2 $0x0  }
0x1d: {  	s5 =	simm.s32 @p1 $0x1;
	p0 =	seq.s32 s7, s2  }
0x1e: {  	s7 =	smul.u32 @!p0 $0xF7A, s2;
	p2 =	seq.s32 @!p0 s5, $0x0  }
0x1f: {  	s9 =	smul.u32 $0xF7A, s1;
	s8 =	simm.s32 @!p0 $0x1BF5;
	p2 =	por !p2, p0  }
0x20: {  	[sflag:s8] =	ssyncset.s32 @!p0 $0xFFFFF086;
	s6 =	sadd.s32 @!p0 s3, s7;
	s7 =	simm.s32 @!p0 $0x108  }
0x21: {  	s3 =	sadd.s32 s3, s9;
	s6 =	sadd.s32 @!p0 $0x88, s6;
	s7 =	simm.s32 @p2 $0x1082  }
0x22: {  	[simem:s7], [sflag:s8] =	dma.local @!p0 [hbm:s6], $0xF7A  }
0x23: {  	s9 =	sor.u32 $0xD0000000, s2;
	s6 =	simm.s32 $0x108;
	_ =	swait.ge @!p0 [sflag:s8], $0x0  }
0x24: {  	s3 =	sadd.s32 $0x88, s3;
	s6 =	simm.s32 @!p1 $0x1082;
	[sflag:s4] =	ssyncset.s32 $0xFFFFF086  }
0x25: {  	[simem:s6], [sflag:s4] =	dma.local [hbm:s3], $0xF7A  }
0x26: {  	[smem:$0x3F9C] =	sst s1;
	(tag) =	ssettag s2;
	_ =	strace s9  }
0x27: {  	s1 =	sld [smem:$0x3FAC]  }
0x28: {  	s2 =	sld [smem:$0x3FAD]  }
0x29: {  	s4 =	sld [smem:$0x3FAF]  }
0x2a: {  	p0 =	seq.s32 s5, $0x0;
	s5 =	sld [smem:$0x3FB0]  }
0x2b: {  	s6 =	sld [smem:$0x3FB1]  }
0x2c: {  	s7 =	sld [smem:$0x3FB2]  }
0x2d: {  	s3 =	simm.s32 $0x108;
	s8 =	sld [smem:$0x3FB3]  }
0x2e: {  	s3 =	simm.s32 @!p0 $0x1082;
	s9 =	sld [smem:$0x3FB4]  }
0x2f: {  	lr =	sadd.s32 s0, s3;
	s0 =	sld [smem:$0x3FAB]  }
0x30: {  	s3 =	sld [smem:$0x3FAE]  }
0x31: {  	[smem:$0x3FB7] =	sst s10  }
0x32: {  	s10 =	sld [smem:$0x3FB5];
	_ =	sdelay $0x3  }
0x33: {  	p0 =	seq.s32 s10, $0x1;
	s10 =	sld [smem:$0x3FB7];
	_ =	sdelay $0x3  }
0x34: {  	[smem:$0x3FB7] =	sst s10  }
0x35: {  	s10 =	sld [smem:$0x3FB6];
	_ =	sdelay $0x3  }
0x36: {  	p1 =	seq.s32 s10, $0x1;
	s10 =	sld [smem:$0x3FB7];
	_ =	sdelay $0x3  }
0x37: {  	[smem:$0x3FB7] =	sst s10  }
0x38: {  	s10 =	sld [smem:$0x3FB8]  }
0x39: {  	_ = 	snop;
	(pc) =	sbr.ind lr, $3  }
0x3a: {  	_ = 	snop  }
0x3b: {  	_ = 	snop  }
0x3c: {  	p2 =	seq.s32 s10, $0x1;
	s10 =	sld [smem:$0x3FB7]  }
0x3d: {  	_ =	shalt  }
0x3e: {  	_ =	shalt  }
0x3f: {  	_ =	shalt  }
0x40: {  	_ =	shalt  }
0x41: {  	_ =	shalt  }
0x42: {  	_ =	shalt  }
0x43: {  	_ =	shalt  }
0x44: {  	_ =	shalt  }
0x45: {  	_ =	shalt  }
0x46: {  	_ =	shalt  }
0x47: {  	_ =	shalt  }
0x48: {  	_ =	shalt  }
0x49: {  	_ =	shalt  }
0x4a: {  	_ =	shalt  }
0x4b: {  	_ =	shalt  }
0x4c: {  	_ =	shalt  }
0x4d: {  	_ =	shalt  }
0x4e: {  	_ =	shalt  }
0x4f: {  	_ =	shalt  }
0x50: {  	_ =	shalt  }
0x51: {  	_ =	shalt  }
0x52: {  	_ =	shalt  }
0x53: {  	_ =	shalt  }
0x54: {  	_ =	shalt  }
0x55: {  	_ =	shalt  }
0x56: {  	_ =	shalt  }
0x57: {  	_ =	shalt  }
0x58: {  	_ =	shalt  }
0x59: {  	_ =	shalt  }
0x5a: {  	_ =	shalt  }
0x5b: {  	_ =	shalt  }
0x5c: {  	_ =	shalt  }
0x5d: {  	_ =	shalt  }
0x5e: {  	_ =	shalt  }
0x5f: {  	_ =	shalt  }
0x60: {  	_ =	shalt  }
0x61: {  	_ =	shalt  }
0x62: {  	_ =	shalt  }
0x63: {  	_ =	shalt  }
0x64: {  	_ =	shalt  }
0x65: {  	_ =	shalt  }
0x66: {  	_ =	shalt  }
0x67: {  	_ =	shalt  }
0x68: {  	_ =	shalt  }
0x69: {  	_ =	shalt  }
0x6a: {  	_ =	shalt  }
0x6b: {  	_ =	shalt  }
0x6c: {  	_ =	shalt  }
0x6d: {  	_ =	shalt  }
0x6e: {  	_ =	shalt  }
0x6f: {  	_ =	shalt  }
0x70: {  	_ =	shalt  }
0x71: {  	_ =	shalt  }
0x72: {  	_ =	shalt  }
0x73: {  	_ =	shalt  }
0x74: {  	_ =	shalt  }
0x75: {  	_ =	shalt  }
0x76: {  	_ =	shalt  }
0x77: {  	_ =	shalt  }
0x78: {  	_ =	shalt  }
0x79: {  	_ =	shalt  }
0x7a: {  	_ =	shalt  }
0x7b: {  	_ =	shalt  }
0x7c: {  	_ =	shalt  }
0x7d: {  	_ =	shalt  }
0x7e: {  	_ =	shalt  }
0x7f: {  	_ =	shalt  }
0x80: {  	_ =	shalt  }
0x81: {  	_ =	shalt  }
0x82: {  	_ =	shalt  }
0x83: {  	_ =	shalt  }
0x84: {  	_ =	shalt  }
0x85: {  	_ =	shalt  }
0x86: {  	_ =	shalt  }
0x87: {  	_ =	shalt  }
.Lfunc_end0:
.L_simem_size_0:
called_computation_lowered:
.L_overlay_start_0:
0x88: {  	s2 =	sld [smem:$0x3FD9]  }
0x89: {  	s3 =	sld [smem:$0x3FFE];
	_ =	sdelay $0x1  }
0x8a: {  	s1 =	srdreg.scid  }
0x8b: {  	s0 =	sand.u32 $0x1, s1  }
0x8c: {  	s17 =	sshll.u32 s0, $0xA;
	s2 =	sadd.s32 s3, s2  }
0x8d: {  	s2 =	sadd.s32 s2, s17  }
0x8e: {  	[smem:$0x3FC3] =	sst s2  }
0x8f: {  	_ = 	snop  }
0x90: {  	s2 =	sld [smem:$0x3FC9];
	(tm) =	ssettm $0x1  }
0x91: {  	s18 =	sld [smem:$0x3FFB];
	_ =	sdelay $0x3  }
0x92: {  	_ =	strace s18  }
0x93: {  	s3 =	sld [smem:$0x3FFC];
	_ =	sdelay $0x3  }
0x94: {  	_ =	strace s3  }
0x95: {  	s3 =	sld [smem:$0x3FFD];
	_ =	sdelay $0x3  }
0x96: {  	_ =	strace s3  }
0x97: {  	_ =	strace $0x8FFFFFFF  }
0x98: {  	s19 =	sld [smem:$0x3FDB];
	_ =	sdelay $0x1  }
0x99: {  	s4 =	simm.s32 $_scs_section_size  }
0x9a: {  	s5 =	simm.s32 $_size__tile_overlayer_lowered;
	s6 =	simm.s32 $_tile_overlayer_lowered  }
0x9b: {  	s22 =	simm.s32 $0x1BFF;
	s21 =	sshll.u32 s6, $0x1;
	s3 =	sadd.s32 s4, s19  }
0x9c: {  	s7 =	simm.s32 $0x0;
	s20 =	sshll.u32 s5, $0x1;
	s5 =	sadd.s32 s21, s3  }
0x9d: {  	[timem:s7], [sflag:s22] =	dma.local [hbm:s5], s20  }
0x9e: {  	_ =	swait.ge [sflag:s22], s20  }
0x9f: {  	s4 =	ssub.s32 $0x0, s20;
	[sflag:s22] =	ssyncset.done $0x0  }
0xa0: {  	[sflag:s22] =	ssyncadd.s32 s4;
	_ =	sdelay $0x1  }
0xa1: {  	s23 =	simm.s32 $0x1B8B  }
0xa2: {  	_ =	swait.ge [sflag:s23], $0x1  }
0xa3: {  	[sflag:s23] =	ssyncset.done $0x0  }
0xa4: {  	s25 =	simm.s32 $0x1B8E;
	s24 =	sld [smem:$0x3FFE];
	[sflag:s23] =	ssyncadd.s32 $0xFFFFFFFF  }
0xa5: {  	s26 =	simm.s32 $execute0_lowered;
	[smem:$0x3FD2] =	sst s25  }
0xa6: {  	s5 =	sshll.u32 s26, $0x1;
	_ =	strace $0x80000046;
	[dreg:$0x1] =	wrdreg $0xFFFFFFFF  }
0xa7: {  	s28 =	simm.s32 $_size_execute0_lowered;
	s3 =	sadd.s32 s3, s5;
	[dreg:$0x0] =	wrdreg $0x0  }
0xa8: {  	s5 =	sshll.u32 s28, $0x1;
	[dreg:$0x2] =	wrdreg s3  }
0xa9: {  	[dreg:$0x3] =	wrdreg s5  }
0xaa: {  	[dreg:$0x4] =	wrdreg $0xC0  }
0xab: {  	_ =	task [dreg:s7], $0x5FFFF  }
0xac: {  	[dreg:$0x1] =	wrdreg $0xFFFFFFFF  }
0xad: {  	[dreg:$0x0] =	wrdreg $0x60  }
0xae: {  	[dreg:$0x2] =	wrdreg s2  }
0xaf: {  	[dreg:$0x3] =	wrdreg s24  }
0xb0: {  	[dreg:$0x4] =	wrdreg $0x9  }
0xb1: {  	_ =	task.clear_ibuf [dreg:s7], $0x5FFFF;
	_ =	strace $0x90000046  }
0xb2: {  	s29 =	simm.s32 $0x9;
	_ =	strace $0x80000048  }
0xb3: {  	_ =	swait.ge [sflag:s29], $0x1  }
0xb4: {  	[sflag:s29] =	ssyncadd.s32 $0xFFFFFFFF  }
0xb5: {  	_ =	strace $0x90000048  }
0xb6: {  	_ =	sfence  }
0xb7: {  	s30 =	sld [smem:$0x0];
	_ =	sdelay $0x2  }
0xb8: {  	s31 =	sshll.u32 s1, $0xD;
	s1 =	sshrl.u32 s1, $0x2  }
0xb9: {  	s3 =	sand.u32 $0x4000, s31;
	s1 =	sadd.s32 s1, s30  }
0xba: {  	s0 =	sor.u32 s3, s0;
	s1 =	sshll.u32 s1, $0x11  }
0xbb: {  	s0 =	sor.u32 s1, s0  }
0xbc: {  	s0 =	sadd.s32 $0x8F2B, s0  }
0xbd: {  	[sflag:s0] =	ssyncadd.remote.s32 $0x1  }
0xbe: {  	_ =	sfence.sel $0xFFFF  }
0xbf: {  	[dreg:$0x0] =	wrdreg $0xFFFFFFFF;
	(pc) =	sbr.abs _section_cstart, $3  }
0xc0: {  	[dreg:$0x1] =	wrdreg $0xFFFFFFFF  }
0xc1: {  	_ =	task.clear_ibuf [dreg:s7], $0x2FFFF;
	_ =	strace $0x9FFFFFFF  }
0xc2: {  	(tm) =	ssettm $0x7FFFFFFF  }
0xc3: {  	_ =	shalt  }
tec
execute0_lowered:
.L_overlay_start_1:
0x0: {  	(tag) =	ssettag $0x1  }
0x1: {  	s0 =	rddreg [dreg:$0x0];
	s1 =	srdreg.scid  }
0x2: {  	s10 =	stileid.u32;
	s8 =	rddreg [dreg:$0x1];
	s5 =	simm.s32 $0x1  }
0x3: {  	s25 =	simm.s32 $0x10000;
	s26 =	simm.s32 $0x10080;
	s28 =	simm.s32 $0x4000  }
0x4: {  	s29 =	simm.s32 $0x4800;
	s30 =	simm.s32 $0x5000;
	s31 =	simm.s32 $0x5800  }
0x5: {  	s11 =	simm.s32 $0x7000;
	s12 =	simm.s32 $0x7800;
	s13 =	simm.s32 $0x8000  }
0x6: {  	s14 =	simm.s32 $0x8800;
	s15 =	simm.s32 $0x9000;
	s16 =	simm.s32 $0x9800  }
0x7: {  	s17 =	simm.s32 $0xA000;
	s18 =	simm.s32 $0xA800;
	s19 =	simm.s32 $0xB000  }
0x8: {  	s1 =	sand.u32 $0x1, s1;
	s2 =	sshll.u32 s10, $0x1;
	s6 =	sadd.s32 $0x2000, s8  }
0x9: {  	s3 =	sadd.s32 $0x3200, s8;
	s4 =	sor.u32 s1, s2;
	s2 =	simm.s32 $0x0  }
0xa: {  	p1 =	seq.s32 s1, $0x1;
	s7 =	ssub.s32 $0x2, s1;
	p0 =	seq.s32 s4, $0x0  }
0xb: {  	[smem:$0x7FF] =	sst s2;
	s9 =	sshrl.u32 s7, $0x1;
	s4 =	sshll.u32 s4, $0xD  }
0xc: {  	p0 =	por !p0, !p1;
	_ =	strace $0x80000047;
	s9 =	ssub.s32 s7, s9  }
0xd: {  	s0 =	sadd.s32 s0, s4;
	[dreg:$0x6] =	wrdreg s25;
	p0 =	por !p0, !p0  }
0xe: {  	s7 =	sadd.s32 $0x3400, s8;
	[dreg:$0x7] =	wrdreg s26;
	s5 =	simm.s32 @!p0 $0x0  }
0xf: {  	s25 =	simm.s32 $0x3000;
	s26 =	simm.s32 $0x3800;
	s5 =	ssub.s32 s10, s5  }
0x10: {  	s4 =	simm.s32 $0xB800;
	[dreg:$0x3] =	wrdreg s0;
	s5 =	sshll.u32 s5, $0x7  }
0x11: {  	s9 =	smax.u32 s9, $0x1;
	s22 =	sshrl.u32 s5, $0x3;
	s5 =	sadd.s32 $0x800, s5  }
0x12: {  	s10 =	simm.s32 $0x2;
	s23 =	sadd.s32 s6, s22;
	s5 =	sshrl.u32 s5, $0x3  }
0x13: {  	v2 =	vlaneseq.u32;
	s22 =	simm.s32 $0x1800;
	[dreg:$0x4] =	wrdreg s23;
	s24 =	sadd.s32 s6, s5  }
0x14: {  	vm0 =	vmmov $0xffff;
	v1 =	vshrl.u32 v2, $0x3;
	s5 =	sshll.u32 s1, $0x6;
	s6 =	sadd.s32 $0x3300, s8;
	s8 =	sadd.s32 $0x3500, s8  }
0x15: {  	v0 =	vand.u32 $0x7, v2;
	v2 =	vor.u32 $0x8, v2;
	v1 =	vmul.u32 $0x8, v1;
	s23 =	simm.s32 $0x2000;
	[dreg:$0x5] =	wrdreg s24;
	s24 =	simm.s32 $0x2800  }
.LBB2_1:
0x16: {  	s20 =	rddreg [dreg:$0x3]  }
0x17: {  	[tilespmem:s2], [sflag:$0x2] =	stream.linear.gather [hbm4b:s20+s2], $0x10000, $0x38;
	[tilespmem:$0x10100] =	vst v63  }
0x18: {  	_ =	swait.ge [sflag:s10], $0x10000  }
0x19: {  	s1 =	rddreg [dreg:$0x4];
	[sflag:s10] =	ssyncset.done $0x0  }
0x1a: {  	s21 =	rddreg [dreg:$0x6];
	[sflag:s10] =	ssyncadd.s32 $0xFFFF0000  }
0x1b: {  	[tilespmem:s21], [sflag:$0x2] =	stream.linear.gather [hbm4b:s1+s2], $0x80, $0x38;
	[tilespmem:$0x10100] =	vst v63  }
0x1c: {  	_ =	swait.ge [sflag:s10], $0x80  }
0x1d: {  	s0 =	rddreg [dreg:$0x5];
	[sflag:s10] =	ssyncset.done $0x0  }
0x1e: {  	s1 =	rddreg [dreg:$0x7];
	[sflag:s10] =	ssyncadd.s32 $0xFFFFFF80  }
0x1f: {  	[tilespmem:s1], [sflag:$0x2] =	stream.linear.gather [hbm4b:s0+s2], $0x80, $0x38;
	[tilespmem:$0x10100] =	vst v63  }
0x20: {  	_ =	swait.ge [sflag:s10], $0x80  }
0x21: {  	[sflag:s10] =	ssyncset.done $0x0  }
0x22: {  	[sflag:s10] =	ssyncadd.s32 $0xFFFFFF80  }
0x23: {  	v3 =	vld [tilespmem:s5+$0x10000];
	_ =	sdelay $0x4  }
0x24: {  	v4 =	vshll.u32 v3, $0x3  }
0x25: {  	v3 =	vand.u32 $0x7, v3;
	v4 =	vand.u32 $0xFFFFFFC0, v4  }
0x26: {  	v3 =	vor.u32 v3, v4  }
0x27: {  	v4 =	vperm.xlane v3, v0;
	_ =	sdelay $0x1  }
0x28: {  	v4 =	vadd.s32 v1, v4;
	_ =	sdelay $0x4  }
0x29: {  	[hbm4b:s3+s2] =	stream.indirect_vreg.scatter [tilespmem:s2], [sflag:$0x1], $0x80, v4, vm0, $0xb8;
	[tilespmem:$0x10100] =	vst v63  }
0x2a: {  	s20 =	simm.s32 $0x800;
	v3 =	vperm.xlane v3, v2  }
0x2b: {  	[hbm4b:s6+s2] =	stream.indirect_vreg.scatter [tilespmem:s20], [sflag:$0x1], $0x80, v4, vm0, $0xb8;
	[tilespmem:$0x10100] =	vst v63  }
0x2c: {  	s21 =	simm.s32 $0x1000;
	v3 =	vadd.s32 v1, v3  }
0x2d: {  	[hbm4b:s7+s2] =	stream.indirect_vreg.scatter [tilespmem:s21], [sflag:$0x1], $0x80, v4, vm0, $0xb8;
	[tilespmem:$0x10100] =	vst v63  }
0x2e: {  	_ = 	snop  }
0x2f: {  	[hbm4b:s8+s2] =	stream.indirect_vreg.scatter [tilespmem:s22], [sflag:$0x1], $0x80, v4, vm0, $0xb8;
	[tilespmem:$0x10100] =	vst v63  }
0x30: {  	_ = 	snop  }
0x31: {  	[hbm4b:s3+s2] =	stream.indirect_vreg.scatter [tilespmem:s23], [sflag:$0x1], $0x80, v3, vm0, $0xb8;
	[tilespmem:$0x10100] =	vst v63  }
0x32: {  	_ = 	snop  }
0x33: {  	[hbm4b:s6+s2] =	stream.indirect_vreg.scatter [tilespmem:s24], [sflag:$0x1], $0x80, v3, vm0, $0xb8;
	[tilespmem:$0x10100] =	vst v63  }
0x34: {  	_ = 	snop  }
0x35: {  	[hbm4b:s7+s2] =	stream.indirect_vreg.scatter [tilespmem:s25], [sflag:$0x1], $0x80, v3, vm0, $0xb8;
	[tilespmem:$0x10100] =	vst v63  }
0x36: {  	_ = 	snop  }
0x37: {  	[hbm4b:s8+s2] =	stream.indirect_vreg.scatter [tilespmem:s26], [sflag:$0x1], $0x80, v3, vm0, $0xb8;
	[tilespmem:$0x10100] =	vst v63  }
0x38: {  	v3 =	vld [tilespmem:s5+$0x10010];
	_ =	sdelay $0x4  }
0x39: {  	v57 =	vshll.u32 v3, $0x3  }
0x3a: {  	v3 =	vand.u32 $0x7, v3;
	v4 =	vand.u32 $0xFFFFFFC0, v57  }
0x3b: {  	v3 =	vor.u32 v3, v4  }
0x3c: {  	v4 =	vperm.xlane v3, v0;
	_ =	sdelay $0x1  }
0x3d: {  	v4 =	vadd.s32 v1, v4;
	_ =	sdelay $0x4  }
0x3e: {  	[hbm4b:s3+s2] =	stream.indirect_vreg.scatter [tilespmem:s28], [sflag:$0x1], $0x80, v4, vm0, $0xb8;
	[tilespmem:$0x10100] =	vst v63  }
0x3f: {  	v3 =	vperm.xlane v3, v2  }
0x40: {  	[hbm4b:s6+s2] =	stream.indirect_vreg.scatter [tilespmem:s29], [sflag:$0x1], $0x80, v4, vm0, $0xb8;
	[tilespmem:$0x10100] =	vst v63  }
0x41: {  	v3 =	vadd.s32 v1, v3  }
0x42: {  	[hbm4b:s7+s2] =	stream.indirect_vreg.scatter [tilespmem:s30], [sflag:$0x1], $0x80, v4, vm0, $0xb8;
	[tilespmem:$0x10100] =	vst v63  }
0x43: {  	_ = 	snop  }
0x44: {  	[hbm4b:s8+s2] =	stream.indirect_vreg.scatter [tilespmem:s31], [sflag:$0x1], $0x80, v4, vm0, $0xb8;
	[tilespmem:$0x10100] =	vst v63  }
0x45: {  	s1 =	simm.s32 $0x6000  }
0x46: {  	[hbm4b:s3+s2] =	stream.indirect_vreg.scatter [tilespmem:s1], [sflag:$0x1], $0x80, v3, vm0, $0xb8;
	[tilespmem:$0x10100] =	vst v63  }
0x47: {  	s0 =	simm.s32 $0x6800  }
0x48: {  	[hbm4b:s6+s2] =	stream.indirect_vreg.scatter [tilespmem:s0], [sflag:$0x1], $0x80, v3, vm0, $0xb8;
	[tilespmem:$0x10100] =	vst v63  }
0x49: {  	_ = 	snop  }
0x4a: {  	[hbm4b:s7+s2] =	stream.indirect_vreg.scatter [tilespmem:s11], [sflag:$0x1], $0x80, v3, vm0, $0xb8;
	[tilespmem:$0x10100] =	vst v63  }
0x4b: {  	_ = 	snop  }
0x4c: {  	[hbm4b:s8+s2] =	stream.indirect_vreg.scatter [tilespmem:s12], [sflag:$0x1], $0x80, v3, vm0, $0xb8;
	[tilespmem:$0x10100] =	vst v63  }
0x4d: {  	v3 =	vld [tilespmem:s5+$0x10020];
	_ =	sdelay $0x4  }
0x4e: {  	v58 =	vshll.u32 v3, $0x3  }
0x4f: {  	v3 =	vand.u32 $0x7, v3;
	v4 =	vand.u32 $0xFFFFFFC0, v58  }
0x50: {  	v3 =	vor.u32 v3, v4  }
0x51: {  	v4 =	vperm.xlane v3, v0;
	_ =	sdelay $0x1  }
0x52: {  	v4 =	vadd.s32 v1, v4;
	_ =	sdelay $0x4  }
0x53: {  	[hbm4b:s3+s2] =	stream.indirect_vreg.scatter [tilespmem:s13], [sflag:$0x1], $0x80, v4, vm0, $0xb8;
	[tilespmem:$0x10100] =	vst v63  }
0x54: {  	v3 =	vperm.xlane v3, v2  }
0x55: {  	[hbm4b:s6+s2] =	stream.indirect_vreg.scatter [tilespmem:s14], [sflag:$0x1], $0x80, v4, vm0, $0xb8;
	[tilespmem:$0x10100] =	vst v63  }
0x56: {  	v3 =	vadd.s32 v1, v3  }
0x57: {  	[hbm4b:s7+s2] =	stream.indirect_vreg.scatter [tilespmem:s15], [sflag:$0x1], $0x80, v4, vm0, $0xb8;
	[tilespmem:$0x10100] =	vst v63  }
0x58: {  	_ = 	snop  }
0x59: {  	[hbm4b:s8+s2] =	stream.indirect_vreg.scatter [tilespmem:s16], [sflag:$0x1], $0x80, v4, vm0, $0xb8;
	[tilespmem:$0x10100] =	vst v63  }
0x5a: {  	_ = 	snop  }
0x5b: {  	[hbm4b:s3+s2] =	stream.indirect_vreg.scatter [tilespmem:s17], [sflag:$0x1], $0x80, v3, vm0, $0xb8;
	[tilespmem:$0x10100] =	vst v63  }
0x5c: {  	_ = 	snop  }
0x5d: {  	[hbm4b:s6+s2] =	stream.indirect_vreg.scatter [tilespmem:s18], [sflag:$0x1], $0x80, v3, vm0, $0xb8;
	[tilespmem:$0x10100] =	vst v63  }
0x5e: {  	_ = 	snop  }
0x5f: {  	[hbm4b:s7+s2] =	stream.indirect_vreg.scatter [tilespmem:s19], [sflag:$0x1], $0x80, v3, vm0, $0xb8;
	[tilespmem:$0x10100] =	vst v63  }
0x60: {  	_ = 	snop  }
0x61: {  	[hbm4b:s8+s2] =	stream.indirect_vreg.scatter [tilespmem:s4], [sflag:$0x1], $0x80, v3, vm0, $0xb8;
	[tilespmem:$0x10100] =	vst v63  }
0x62: {  	v3 =	vld [tilespmem:s5+$0x10030];
	_ =	sdelay $0x4  }
0x63: {  	v59 =	vshll.u32 v3, $0x3  }
0x64: {  	v3 =	vand.u32 $0x7, v3;
	v4 =	vand.u32 $0xFFFFFFC0, v59  }
0x65: {  	v3 =	vor.u32 v3, v4  }
0x66: {  	v4 =	vperm.xlane v3, v0;
	_ =	sdelay $0x1  }
0x67: {  	v4 =	vadd.s32 v1, v4;
	_ =	sdelay $0x3  }
0x68: {  	s0 =	simm.s32 $0xC000  }
0x69: {  	[hbm4b:s3+s2] =	stream.indirect_vreg.scatter [tilespmem:s0], [sflag:$0x1], $0x80, v4, vm0, $0xb8;
	[tilespmem:$0x10100] =	vst v63  }
0x6a: {  	v3 =	vperm.xlane v3, v2;
	s0 =	simm.s32 $0xC800  }
0x6b: {  	[hbm4b:s6+s2] =	stream.indirect_vreg.scatter [tilespmem:s0], [sflag:$0x1], $0x80, v4, vm0, $0xb8;
	[tilespmem:$0x10100] =	vst v63  }
0x6c: {  	v3 =	vadd.s32 v1, v3;
	s0 =	simm.s32 $0xD000  }
0x6d: {  	[hbm4b:s7+s2] =	stream.indirect_vreg.scatter [tilespmem:s0], [sflag:$0x1], $0x80, v4, vm0, $0xb8;
	[tilespmem:$0x10100] =	vst v63  }
0x6e: {  	s0 =	simm.s32 $0xD800  }
0x6f: {  	[hbm4b:s8+s2] =	stream.indirect_vreg.scatter [tilespmem:s0], [sflag:$0x1], $0x80, v4, vm0, $0xb8;
	[tilespmem:$0x10100] =	vst v63  }
0x70: {  	s0 =	simm.s32 $0xE000  }
0x71: {  	[hbm4b:s3+s2] =	stream.indirect_vreg.scatter [tilespmem:s0], [sflag:$0x1], $0x80, v3, vm0, $0xb8;
	[tilespmem:$0x10100] =	vst v63  }
0x72: {  	s0 =	simm.s32 $0xE800  }
0x73: {  	[hbm4b:s6+s2] =	stream.indirect_vreg.scatter [tilespmem:s0], [sflag:$0x1], $0x80, v3, vm0, $0xb8;
	[tilespmem:$0x10100] =	vst v63  }
0x74: {  	s0 =	simm.s32 $0xF000  }
0x75: {  	[hbm4b:s7+s2] =	stream.indirect_vreg.scatter [tilespmem:s0], [sflag:$0x1], $0x80, v3, vm0, $0xb8;
	[tilespmem:$0x10100] =	vst v63  }
0x76: {  	s0 =	simm.s32 $0xF800  }
0x77: {  	[hbm4b:s8+s2] =	stream.indirect_vreg.scatter [tilespmem:s0], [sflag:$0x1], $0x80, v3, vm0, $0xb8;
	[tilespmem:$0x10100] =	vst v63  }
0x78: {  	s0 =	simm.s32 $0x1  }
0x79: {  	_ =	swait.ge [sflag:s0], $0x10000  }
0x7a: {  	[sflag:s0] =	ssyncset.done $0x0  }
0x7b: {  	[sflag:s0] =	ssyncadd.s32 $0xFFFF0000  }
0x7c: {  	v3 =	vld [tilespmem:s5+$0x10080];
	_ =	sdelay $0x4  }
0x7d: {  	v60 =	vshll.u32 v3, $0x3  }
0x7e: {  	v3 =	vand.u32 $0x7, v3;
	v4 =	vand.u32 $0xFFFFFFC0, v60  }
0x7f: {  	v3 =	vor.u32 v3, v4  }
0x80: {  	v4 =	vperm.xlane v3, v0;
	_ =	sdelay $0x1  }
0x81: {  	v4 =	vadd.s32 v1, v4;
	_ =	sdelay $0x4  }
0x82: {  	[hbm4b:s3+s2] =	stream.indirect_vreg.scatter [tilespmem:s2], [sflag:$0x1], $0x80, v4, vm0, $0xb8;
	[tilespmem:$0x10100] =	vst v63  }
0x83: {  	v3 =	vperm.xlane v3, v2  }
0x84: {  	[hbm4b:s6+s2] =	stream.indirect_vreg.scatter [tilespmem:s20], [sflag:$0x1], $0x80, v4, vm0, $0xb8;
	[tilespmem:$0x10100] =	vst v63  }
0x85: {  	v3 =	vadd.s32 v1, v3  }
0x86: {  	[hbm4b:s7+s2] =	stream.indirect_vreg.scatter [tilespmem:s21], [sflag:$0x1], $0x80, v4, vm0, $0xb8;
	[tilespmem:$0x10100] =	vst v63  }
0x87: {  	_ = 	snop  }
0x88: {  	[hbm4b:s8+s2] =	stream.indirect_vreg.scatter [tilespmem:s22], [sflag:$0x1], $0x80, v4, vm0, $0xb8;
	[tilespmem:$0x10100] =	vst v63  }
0x89: {  	_ = 	snop  }
0x8a: {  	[hbm4b:s3+s2] =	stream.indirect_vreg.scatter [tilespmem:s23], [sflag:$0x1], $0x80, v3, vm0, $0xb8;
	[tilespmem:$0x10100] =	vst v63  }
0x8b: {  	_ = 	snop  }
0x8c: {  	[hbm4b:s6+s2] =	stream.indirect_vreg.scatter [tilespmem:s24], [sflag:$0x1], $0x80, v3, vm0, $0xb8;
	[tilespmem:$0x10100] =	vst v63  }
0x8d: {  	_ = 	snop  }
0x8e: {  	[hbm4b:s7+s2] =	stream.indirect_vreg.scatter [tilespmem:s25], [sflag:$0x1], $0x80, v3, vm0, $0xb8;
	[tilespmem:$0x10100] =	vst v63  }
0x8f: {  	_ = 	snop  }
0x90: {  	[hbm4b:s8+s2] =	stream.indirect_vreg.scatter [tilespmem:s26], [sflag:$0x1], $0x80, v3, vm0, $0xb8;
	[tilespmem:$0x10100] =	vst v63  }
0x91: {  	v3 =	vld [tilespmem:s5+$0x10090];
	_ =	sdelay $0x4  }
0x92: {  	v61 =	vshll.u32 v3, $0x3  }
0x93: {  	v3 =	vand.u32 $0x7, v3;
	v4 =	vand.u32 $0xFFFFFFC0, v61  }
0x94: {  	v3 =	vor.u32 v3, v4  }
0x95: {  	v4 =	vperm.xlane v3, v0;
	_ =	sdelay $0x1  }
0x96: {  	v4 =	vadd.s32 v1, v4;
	_ =	sdelay $0x4  }
0x97: {  	[hbm4b:s3+s2] =	stream.indirect_vreg.scatter [tilespmem:s28], [sflag:$0x1], $0x80, v4, vm0, $0xb8;
	[tilespmem:$0x10100] =	vst v63  }
0x98: {  	v3 =	vperm.xlane v3, v2  }
0x99: {  	[hbm4b:s6+s2] =	stream.indirect_vreg.scatter [tilespmem:s29], [sflag:$0x1], $0x80, v4, vm0, $0xb8;
	[tilespmem:$0x10100] =	vst v63  }
0x9a: {  	v3 =	vadd.s32 v1, v3  }
0x9b: {  	[hbm4b:s7+s2] =	stream.indirect_vreg.scatter [tilespmem:s30], [sflag:$0x1], $0x80, v4, vm0, $0xb8;
	[tilespmem:$0x10100] =	vst v63  }
0x9c: {  	_ = 	snop  }
0x9d: {  	[hbm4b:s8+s2] =	stream.indirect_vreg.scatter [tilespmem:s31], [sflag:$0x1], $0x80, v4, vm0, $0xb8;
	[tilespmem:$0x10100] =	vst v63  }
0x9e: {  	_ = 	snop  }
0x9f: {  	[hbm4b:s3+s2] =	stream.indirect_vreg.scatter [tilespmem:s1], [sflag:$0x1], $0x80, v3, vm0, $0xb8;
	[tilespmem:$0x10100] =	vst v63  }
0xa0: {  	s21 =	simm.s32 $0x6800  }
0xa1: {  	[hbm4b:s6+s2] =	stream.indirect_vreg.scatter [tilespmem:s21], [sflag:$0x1], $0x80, v3, vm0, $0xb8;
	[tilespmem:$0x10100] =	vst v63  }
0xa2: {  	_ = 	snop  }
0xa3: {  	[hbm4b:s7+s2] =	stream.indirect_vreg.scatter [tilespmem:s11], [sflag:$0x1], $0x80, v3, vm0, $0xb8;
	[tilespmem:$0x10100] =	vst v63  }
0xa4: {  	_ = 	snop  }
0xa5: {  	[hbm4b:s8+s2] =	stream.indirect_vreg.scatter [tilespmem:s12], [sflag:$0x1], $0x80, v3, vm0, $0xb8;
	[tilespmem:$0x10100] =	vst v63  }
0xa6: {  	v3 =	vld [tilespmem:s5+$0x100A0];
	_ =	sdelay $0x4  }
0xa7: {  	v62 =	vshll.u32 v3, $0x3  }
0xa8: {  	v3 =	vand.u32 $0x7, v3;
	v4 =	vand.u32 $0xFFFFFFC0, v62  }
0xa9: {  	v3 =	vor.u32 v3, v4  }
0xaa: {  	v4 =	vperm.xlane v3, v0;
	_ =	sdelay $0x1  }
0xab: {  	v4 =	vadd.s32 v1, v4;
	_ =	sdelay $0x4  }
0xac: {  	[hbm4b:s3+s2] =	stream.indirect_vreg.scatter [tilespmem:s13], [sflag:$0x1], $0x80, v4, vm0, $0xb8;
	[tilespmem:$0x10100] =	vst v63  }
0xad: {  	v3 =	vperm.xlane v3, v2  }
0xae: {  	[hbm4b:s6+s2] =	stream.indirect_vreg.scatter [tilespmem:s14], [sflag:$0x1], $0x80, v4, vm0, $0xb8;
	[tilespmem:$0x10100] =	vst v63  }
0xaf: {  	v3 =	vadd.s32 v1, v3  }
0xb0: {  	[hbm4b:s7+s2] =	stream.indirect_vreg.scatter [tilespmem:s15], [sflag:$0x1], $0x80, v4, vm0, $0xb8;
	[tilespmem:$0x10100] =	vst v63  }
0xb1: {  	_ = 	snop  }
0xb2: {  	[hbm4b:s8+s2] =	stream.indirect_vreg.scatter [tilespmem:s16], [sflag:$0x1], $0x80, v4, vm0, $0xb8;
	[tilespmem:$0x10100] =	vst v63  }
0xb3: {  	_ = 	snop  }
0xb4: {  	[hbm4b:s3+s2] =	stream.indirect_vreg.scatter [tilespmem:s17], [sflag:$0x1], $0x80, v3, vm0, $0xb8;
	[tilespmem:$0x10100] =	vst v63  }
0xb5: {  	_ = 	snop  }
0xb6: {  	[hbm4b:s6+s2] =	stream.indirect_vreg.scatter [tilespmem:s18], [sflag:$0x1], $0x80, v3, vm0, $0xb8;
	[tilespmem:$0x10100] =	vst v63  }
0xb7: {  	_ = 	snop  }
0xb8: {  	[hbm4b:s7+s2] =	stream.indirect_vreg.scatter [tilespmem:s19], [sflag:$0x1], $0x80, v3, vm0, $0xb8;
	[tilespmem:$0x10100] =	vst v63  }
0xb9: {  	_ = 	snop  }
0xba: {  	[hbm4b:s8+s2] =	stream.indirect_vreg.scatter [tilespmem:s4], [sflag:$0x1], $0x80, v3, vm0, $0xb8;
	[tilespmem:$0x10100] =	vst v63  }
0xbb: {  	v3 =	vld [tilespmem:s5+$0x100B0];
	_ =	sdelay $0x4  }
0xbc: {  	v63 =	vshll.u32 v3, $0x3  }
0xbd: {  	v3 =	vand.u32 $0x7, v3;
	v4 =	vand.u32 $0xFFFFFFC0, v63  }
0xbe: {  	v3 =	vor.u32 v3, v4  }
0xbf: {  	v4 =	vperm.xlane v3, v0;
	_ =	sdelay $0x1  }
0xc0: {  	v4 =	vadd.s32 v1, v4;
	_ =	sdelay $0x3  }
0xc1: {  	s20 =	simm.s32 $0xC000  }
0xc2: {  	[hbm4b:s3+s2] =	stream.indirect_vreg.scatter [tilespmem:s20], [sflag:$0x1], $0x80, v4, vm0, $0xb8;
	[tilespmem:$0x10100] =	vst v63  }
0xc3: {  	s21 =	simm.s32 $0xC800;
	v3 =	vperm.xlane v3, v2  }
0xc4: {  	[hbm4b:s6+s2] =	stream.indirect_vreg.scatter [tilespmem:s21], [sflag:$0x1], $0x80, v4, vm0, $0xb8;
	[tilespmem:$0x10100] =	vst v63  }
0xc5: {  	v3 =	vadd.s32 v1, v3;
	s20 =	simm.s32 $0xD000  }
0xc6: {  	[hbm4b:s7+s2] =	stream.indirect_vreg.scatter [tilespmem:s20], [sflag:$0x1], $0x80, v4, vm0, $0xb8;
	[tilespmem:$0x10100] =	vst v63  }
0xc7: {  	s21 =	simm.s32 $0xD800  }
0xc8: {  	[hbm4b:s8+s2] =	stream.indirect_vreg.scatter [tilespmem:s21], [sflag:$0x1], $0x80, v4, vm0, $0xb8;
	[tilespmem:$0x10100] =	vst v63  }
0xc9: {  	s20 =	simm.s32 $0xE000  }
0xca: {  	[hbm4b:s3+s2] =	stream.indirect_vreg.scatter [tilespmem:s20], [sflag:$0x1], $0x80, v3, vm0, $0xb8;
	[tilespmem:$0x10100] =	vst v63  }
0xcb: {  	s21 =	simm.s32 $0xE800  }
0xcc: {  	[hbm4b:s6+s2] =	stream.indirect_vreg.scatter [tilespmem:s21], [sflag:$0x1], $0x80, v3, vm0, $0xb8;
	[tilespmem:$0x10100] =	vst v63  }
0xcd: {  	p0 =	sne.s32 s9, $0x1;
	s20 =	simm.s32 $0xF000  }
0xce: {  	[hbm4b:s7+s2] =	stream.indirect_vreg.scatter [tilespmem:s20], [sflag:$0x1], $0x80, v3, vm0, $0xb8;
	[tilespmem:$0x10100] =	vst v63  }
.Ltmp0:
0xcf: {  	s21 =	simm.s32 $0xF800;
	(pc) =	sbr.rel @p0 .LBB2_1-.Ltmp0, $4  }
0xd0: {  	[hbm4b:s8+s2] =	stream.indirect_vreg.scatter [tilespmem:s21], [sflag:$0x1], $0x80, v3, vm0, $0xb8;
	[tilespmem:$0x10100] =	vst v63  }
0xd1: {  	_ =	swait.ge [sflag:s0], $0x10000  }
0xd2: {  	[sflag:s0] =	ssyncset.done $0x0  }
0xd3: {  	s9 =	sadd.s32 $0xFFFFFFFF, s9;
	[sflag:s0] =	ssyncadd.s32 $0xFFFF0000  }
0xd4: {  	_ =	sfence.sel $0x180000  }
0xd5: {  	[bflag:$0x0] =	sbarrier.arrive $0xFFFF  }
0xd6: {  	_ =	strace $0x90000047  }
0xd7: {  	s0 =	stileid.u32;
	[bflag:$0x2] =	sbarrier.arrive $0xFFFF  }
0xd8: {  	p0 =	sne.s32 s0, $0x0;
	s0 =	rddreg [dreg:$0x2]  }
0xd9: {  	s0 =	sadd.s32 @!p0 $0x100000, s0  }
0xda: {  	[sflag:s0] =	ssyncadd.tile.s32 @!p0 $0x1;
	_ =	shalt  }
.Lfunc_end2:
_tile_overlayer_lowered:
.L_overlay_start_2:
0xdb: {  	(tag) =	ssettag $0x2  }
0xdc: {  	s0 =	rddreg [dreg:$0x0];
	s2 =	stileid.u32  }
0xdd: {  	s1 =	rddreg [dreg:$0x1];
	p0 =	sne.s32 s2, $0x0  }
0xde: {  	s3 =	rddreg [dreg:$0x2];
	[bflag:$0x3] =	sbarrier.arrive $0xFFFF;
	s2 =	simm.s32 @!p0 $0x1C02  }
0xdf: {  	[timem:s3], [sflag:s2] =	dma.local @!p0 [hbm:s0], s1  }
0xe0: {  	s0 =	simm.s32 @!p0 $0x2  }
0xe1: {  	_ =	swait.ge @!p0 [sflag:s0], s1  }
0xe2: {  	s1 =	ssub.s32 @!p0 $0x0, s1;
	[sflag:s0] =	ssyncset.done @!p0 $0x0  }
0xe3: {  	[sflag:s0] =	ssyncadd.s32 @!p0 s1  }
0xe4: {  	[bflag:$0x3] =	sbarrier.arrive $0xFFFF  }
0xe5: {  	_ =	shalt  }

</sc_bundles>
